<compile_context>
chip_gen: v7x
topology: tpu7x:2x2x1
jax: 0.10.2.dev20260603
libtpu: 0.0.44.dev20260713+nightly
codegen_flags: <defaults>
</compile_context>

<pallas_src>
import functools

import jax
import jax.numpy as jnp
from jax import lax
from jax.experimental import pallas as pl
from jax.experimental.pallas import tpu as pltpu
from jax.experimental.pallas import tpu_sc as plsc

D = 4
N_NODES = 10000
N_HEDGES = 10000
NNZ = 320000
F_DIM = 128
TW = 16
OUT = NNZ * 16

NW = 32
PER_W = NNZ // NW
CH = 400
NCH = PER_W // CH
NG = CH // 16


def _tables_body(x_ref, e_ref, wx_ref, we_ref, crow_ref, gx_ref, ge_ref):
    def one(src_ref, w_ref, dst_ref, extra):
        v = src_ref[...]
        bn = v.shape[0] // D
        m = v.reshape(bn, D, F_DIM).mean(axis=1)
        r = jnp.dot(m, w_ref[...], preferred_element_type=jnp.float32,
                    precision=lax.Precision.HIGHEST)
        q = jnp.sum(m * m, axis=1, keepdims=True)
        s = jnp.sum(m, axis=1, keepdims=True)
        colid = lax.broadcasted_iota(jnp.int32, r.shape, 1)
        out = jnp.where(colid == 7, q, jnp.where(colid == 6, s, r))
        if extra is not None:
            out = out + extra
        dst_ref[...] = out

    one(x_ref, wx_ref, gx_ref, None)
    one(e_ref, we_ref, ge_ref, crow_ref[...])


def _make_tables(x, e, wxp, wep, crow):
    BN = 400
    grid = N_NODES // BN
    return pl.pallas_call(
        _tables_body,
        grid=(grid,),
        in_specs=[
            pl.BlockSpec((D * BN, F_DIM), lambda i: (i, 0)),
            pl.BlockSpec((D * BN, F_DIM), lambda i: (i, 0)),
            pl.BlockSpec((F_DIM, TW), lambda i: (0, 0)),
            pl.BlockSpec((F_DIM, TW), lambda i: (0, 0)),
            pl.BlockSpec((1, TW), lambda i: (0, 0)),
        ],
        out_specs=[
            pl.BlockSpec((BN, TW), lambda i: (i, 0)),
            pl.BlockSpec((BN, TW), lambda i: (i, 0)),
        ],
        out_shape=[
            jax.ShapeDtypeStruct((N_NODES, TW), jnp.float32),
            jax.ShapeDtypeStruct((N_HEDGES, TW), jnp.float32),
        ],
    )(x, e, wxp, wep, crow)


def _mul(a, b):
    if isinstance(a, float):
        if a == 0.0:
            return 0.0
        if a == 1.0:
            return b
    if isinstance(b, float):
        if b == 0.0:
            return 0.0
        if b == 1.0:
            return a
    return a * b


def _add(a, b):
    if isinstance(a, float) and a == 0.0:
        return b
    if isinstance(b, float) and b == 0.0:
        return a
    return a + b


def _sub(a, b):
    if isinstance(b, float) and b == 0.0:
        return a
    return a - b


def _householder_q(p, rcp=None):
    if rcp is None:
        rcp = lambda a: 1.0 / a
    v = [
        [1.0, p[0], p[1], p[3]],
        [0.0, 1.0, p[2], p[4]],
        [0.0, 0.0, 1.0, p[5]],
        [0.0, 0.0, 0.0, 1.0],
    ]
    tau = [
        2.0 * rcp(1.0 + p[0] * p[0] + p[1] * p[1] + p[3] * p[3]),
        2.0 * rcp(1.0 + p[2] * p[2] + p[4] * p[4]),
        2.0 * rcp(1.0 + p[5] * p[5]),
        2.0,
    ]
    Q = [[1.0 if i == j else 0.0 for j in range(4)] for i in range(4)]
    for i in (3, 2, 1, 0):
        w = [0.0, 0.0, 0.0, 0.0]
        for j in range(4):
            acc = 0.0
            for k in range(4):
                acc = _add(acc, _mul(v[i][k], Q[k][j]))
            w[j] = acc
        for k in range(4):
            tv = _mul(tau[i], v[i][k])
            for j in range(4):
                Q[k][j] = _sub(Q[k][j], _mul(tv, w[j]))
    out = []
    for i in range(4):
        for j in range(4):
            q = Q[i][j]
            if isinstance(q, float):
                q = jnp.full_like(p[0], q)
            out.append(q)
    return out


def _rcp16(a):
    i = plsc.bitcast(a, jnp.int32)
    y = plsc.bitcast(0x7EF311C3 - i, jnp.float32)
    for _ in range(3):
        y = y * (2.0 - a * y)
    return y


def _tanh16(z):
    z = jnp.minimum(jnp.maximum(z, -20.0), 20.0)
    return 1.0 - 2.0 * _rcp16(jnp.exp(z + z) + 1.0)


def _rsqrt16(x):
    i = plsc.bitcast(x, jnp.int32)
    i = 0x5F3759DF - lax.shift_right_arithmetic(i, 1)
    y = plsc.bitcast(i, jnp.float32)
    for _ in range(3):
        y = y * (1.5 - 0.5 * x * y * y)
    return y


def _sc_body(gx_hbm, ge_hbm, row_hbm, col_hbm,
             h0_hbm, h1_hbm, attr_hbm,
             ridx_v, cidx_v, g1_v, g2_v,
             attr_v, h0_v, h1_v, sem1, sem2):
    wid = lax.axis_index("s") * 2 + lax.axis_index("c")
    iota = lax.iota(jnp.int32, 16)

    def chunk(ch, carry):
        base = wid * PER_W + ch * CH
        pltpu.sync_copy(row_hbm.at[pl.ds(base, CH)], ridx_v)
        pltpu.sync_copy(col_hbm.at[pl.ds(base, CH)], cidx_v)
        a = pltpu.async_copy(gx_hbm.at[ridx_v], g1_v, sem1)
        c = pltpu.async_copy(ge_hbm.at[cidx_v], g2_v, sem2)
        a.wait()
        c.wait()

        def group(g, carry2):
            b16 = g * 16
            pi = b16 + iota
            row16 = ridx_v[pl.ds(b16, 16)]
            col16 = cidx_v[pl.ds(b16, 16)]
            f1 = [plsc.load_gather(g1_v, [pi, jnp.full((16,), t, jnp.int32)])
                  for t in range(8)]
            f2 = [plsc.load_gather(g2_v, [pi, jnp.full((16,), t, jnp.int32)])
                  for t in range(14)]
            inv = 1.0 / (2 * F_DIM)
            mu = (f1[6] + f2[6]) * inv
            m2 = (f1[7] + f2[7]) * inv
            var = m2 - mu * mu
            rs = _rsqrt16(var + 1e-5)
            p = [_tanh16((f1[t] + f2[t]) * rs + f2[8 + t])
                 for t in range(6)]
            q = _householder_q(p, rcp=_rcp16)
            oidx = pi * 16
            for k in range(16):
                plsc.store_scatter(attr_v, [oidx + k], q[k])
            r4 = row16 * D
            c4 = col16 * D
            for k in range(16):
                plsc.store_scatter(h0_v, [oidx + k], r4 + (k // D))
                plsc.store_scatter(h1_v, [oidx + k], c4 + (k % D))
            return carry2

        lax.fori_loop(0, NG, group, 0)
        ob = base * 16
        pltpu.sync_copy(attr_v, attr_hbm.at[pl.ds(ob, CH * 16)])
        pltpu.sync_copy(h0_v, h0_hbm.at[pl.ds(ob, CH * 16)])
        pltpu.sync_copy(h1_v, h1_hbm.at[pl.ds(ob, CH * 16)])
        return carry

    lax.fori_loop(0, NCH, chunk, 0)


def _sc_epilogue(gx, ge, row, col):
    run = pl.kernel(
        _sc_body,
        out_type=[
            jax.ShapeDtypeStruct((OUT,), jnp.int32),
            jax.ShapeDtypeStruct((OUT,), jnp.int32),
            jax.ShapeDtypeStruct((OUT,), jnp.float32),
        ],
        mesh=plsc.VectorSubcoreMesh(core_axis_name="c", subcore_axis_name="s"),
        compiler_params=pltpu.CompilerParams(
            use_tc_tiling_on_sc=False, needs_layout_passes=False),
        scratch_types=[
            pltpu.VMEM((CH,), jnp.int32),
            pltpu.VMEM((CH,), jnp.int32),
            pltpu.VMEM((CH, TW), jnp.float32),
            pltpu.VMEM((CH, TW), jnp.float32),
            pltpu.VMEM((CH * 16,), jnp.float32),
            pltpu.VMEM((CH * 16,), jnp.int32),
            pltpu.VMEM((CH * 16,), jnp.int32),
            pltpu.SemaphoreType.DMA,
            pltpu.SemaphoreType.DMA,
        ],
    )
    return run(gx, ge, row, col)


def _finish_body(h0_ref, h1_ref, a_ref, hout_ref, aout_ref,
                 c0_sem, c1_sem, c2_sem):
    c0 = pltpu.make_async_copy(h0_ref, hout_ref.at[0], c0_sem)
    c1 = pltpu.make_async_copy(h1_ref, hout_ref.at[1], c1_sem)
    c2 = pltpu.make_async_copy(a_ref, aout_ref, c2_sem)
    c0.start()
    c1.start()
    c2.start()
    c0.wait()
    c1.wait()
    c2.wait()


def _finish(h0p, h1p, attr):
    return pl.pallas_call(
        _finish_body,
        in_specs=[
            pl.BlockSpec(memory_space=pl.ANY),
            pl.BlockSpec(memory_space=pl.ANY),
            pl.BlockSpec(memory_space=pl.ANY),
        ],
        out_specs=[
            pl.BlockSpec(memory_space=pl.ANY),
            pl.BlockSpec(memory_space=pl.ANY),
        ],
        out_shape=[
            jax.ShapeDtypeStruct((2, OUT), jnp.int32),
            jax.ShapeDtypeStruct((OUT,), jnp.float32),
        ],
        scratch_shapes=[pltpu.SemaphoreType.DMA, pltpu.SemaphoreType.DMA,
                        pltpu.SemaphoreType.DMA],
    )(h0p, h1p, attr)


def kernel(x, e, hyperedge_index, ln_w, ln_b, W, b):
    f = F_DIM
    wf = ln_w[:, None] * W
    sw = wf.sum(0)
    wx6 = wf[:f] - sw[None, :] * (1.0 / (2 * f))
    we6 = wf[f:] - sw[None, :] * (1.0 / (2 * f))
    pad = jnp.zeros((f, TW - 7), jnp.float32)
    ones = jnp.ones((f, 1), jnp.float32)
    wxp = jnp.concatenate([wx6, ones, pad], axis=1)
    wep = jnp.concatenate([we6, ones, pad], axis=1)
    c0 = ln_b @ W + b
    crow = jnp.concatenate([
        jnp.zeros((8,), jnp.float32), c0, jnp.zeros((2,), jnp.float32),
    ]).reshape(1, TW)

    row = hyperedge_index[0].astype(jnp.int32)
    col = hyperedge_index[1].astype(jnp.int32)

    gx, ge = _make_tables(x, e, wxp, wep, crow)
    h0p, h1p, attr = _sc_epilogue(gx, ge, row, col)
    return _finish(h0p, h1p, attr)

# --- scband reference (transcript-rebuilt; emitter-appended) ---
"""Pipeline reference for scband-sheaf-builder-ortho-90898687852736 (READ-ONLY COPY).

The authoritative reference and input builder live on the scoring server;
editing this copy changes nothing except your own understanding.
"""

import jax, jax.numpy as jnp
import numpy as np

D = 4
N_NODES = 10000
N_HEDGES = 10000
NNZ = 320000
F_DIM = 128

def layer_norm(x, w, b, eps=1e-5):
    mu = x.mean(-1, keepdims=True)
    var = x.var(-1, keepdims=True)
    return (x - mu) / jnp.sqrt(var + eps) * w + b

def householder_product(A, tau):
    d = A.shape[-1]
    Q = jnp.broadcast_to(jnp.eye(d, dtype=A.dtype), A.shape)
    for i in range(d - 1, -1, -1):
        v = A[..., :, i]
        v = v.at[..., i].set(1.0)
        v = v * (jnp.arange(d) >= i).astype(A.dtype)
        w = jnp.einsum('...i,...ij->...j', v, Q)
        Q = Q - tau[..., i][..., None, None] * v[..., None] * w[..., None, :]
    return Q

def orth_householder(params, d):
    tril = np.tril_indices(d, k=-1)
    A = jnp.zeros(params.shape[:-1] + (d, d), dtype=params.dtype)
    A = A.at[..., tril[0], tril[1]].set(params)
    tau = 2.0 / (1.0 + (A * A).sum(-2))
    return householder_product(A, tau)

def setup_inputs(seed: int = 0):
    key = jax.random.key(seed)
    k1, k2, k3, k4, k5 = jax.random.split(key, 5)
    x = jax.random.normal(k1, (N_NODES * D, F_DIM), dtype=jnp.float32)
    e = jax.random.normal(k2, (N_HEDGES * D, F_DIM), dtype=jnp.float32)
    row = jax.random.randint(k3, (NNZ,), 0, N_NODES)
    col = jax.random.randint(k4, (NNZ,), 0, N_HEDGES)
    col = col.at[-1].set(N_HEDGES - 1)
    hyperedge_index = jnp.stack([row, col], axis=0)
    in_dim = 2 * F_DIM
    out_dim = D * (D - 1) // 2
    ln_w = jnp.ones((in_dim,), jnp.float32)
    ln_b = jnp.zeros((in_dim,), jnp.float32)
    W = jax.random.normal(k5, (in_dim, out_dim), jnp.float32) / np.sqrt(in_dim)
    b = jnp.zeros((out_dim,), jnp.float32)
    return {"x": x, "e": e, "hyperedge_index": hyperedge_index, "ln_w": ln_w, "ln_b": ln_b, "W": W, "b": b}

def reference(x, e, hyperedge_index, ln_w, ln_b, W, b):
    d = D
    num_nodes = x.shape[0] // d
    num_edges = e.shape[0] // d
    xm = x.reshape(num_nodes, d, x.shape[-1]).mean(1)
    em = e.reshape(num_edges, d, e.shape[-1]).mean(1)
    row, col = hyperedge_index[0], hyperedge_index[1]
    xs = jnp.take(xm, row, axis=0)
    es = jnp.take(em, col, axis=0)
    h = jnp.concatenate([xs, es], axis=-1)
    h = layer_norm(h, ln_w, ln_b)
    h = h @ W + b
    h = jnp.tanh(h)
    Q = orth_householder(h, d)
    d_range = jnp.arange(d)
    d_range_edges = jnp.tile(d_range, d).reshape(-1, 1)
    d_range_nodes = jnp.repeat(d_range, d).reshape(-1, 1)
    h0 = (d * row[None, :] + d_range_nodes).T.reshape(1, -1)
    h1 = (d * col[None, :] + d_range_edges).T.reshape(1, -1)
    h_orth_sheaf_index = jnp.concatenate([h0, h1], axis=0)
    h_orth_sheaf_attributes = Q.reshape(-1)
    return (h_orth_sheaf_index, h_orth_sheaf_attributes)

if __name__ == "__main__":
    import jax
    _d = setup_inputs()
    print(jax.jit(kernel)(*tuple(_d.values())))

</pallas_src>

<mosaic_0001>
#map = affine_map<(d0, d1) -> (0, 0)>
#map1 = affine_map<(d0, d1) -> (0)>
module attributes {stable_mosaic.version = 14 : i64} {
  func.func @_sc_body(%arg0: i32, %arg1: i32, %arg2: memref<10000x16xf32, #tpu.memory_space<hbm>>, %arg3: memref<10000x16xf32, #tpu.memory_space<hbm>>, %arg4: memref<320000xi32, #tpu.memory_space<hbm>>, %arg5: memref<320000xi32, #tpu.memory_space<hbm>>, %arg6: memref<5120000xi32, #tpu.memory_space<hbm>>, %arg7: memref<5120000xi32, #tpu.memory_space<hbm>>, %arg8: memref<5120000xf32, #tpu.memory_space<hbm>>, %arg9: memref<400xi32, #tpu.memory_space<vmem>>, %arg10: memref<400xi32, #tpu.memory_space<vmem>>, %arg11: memref<400x16xf32, #tpu.memory_space<vmem>>, %arg12: memref<400x16xf32, #tpu.memory_space<vmem>>, %arg13: memref<6400xf32, #tpu.memory_space<vmem>>, %arg14: memref<6400xi32, #tpu.memory_space<vmem>>, %arg15: memref<6400xi32, #tpu.memory_space<vmem>>, %arg16: memref<!tpu.dma_semaphore, #tpu.memory_space<semaphore_mem>>, %arg17: memref<!tpu.dma_semaphore, #tpu.memory_space<semaphore_mem>>) attributes {dimension_semantics = [#tpu.dimension_semantics<core_parallel>, #tpu.dimension_semantics<subcore_parallel>], iteration_bounds = array<i64: 2, 16>, scalar_prefetch = 0 : i64, scratch_operands = 9 : i64, tpu.core_type = #tpu.core_type<sc_vector_subcore>, window_params = [{transform_indices = #map}, {transform_indices = #map}, {transform_indices = #map1}, {transform_indices = #map1}, {transform_indices = #map1}, {transform_indices = #map1}, {transform_indices = #map1}]} {
    %mul3A = arith.constant 2 : i32
    %mul3A_0 = arith.muli %arg1, %mul3A : i32
    %add3A = arith.addi %mul3A_0, %arg0 : i32
    %iota3A = tpu.iota {dimensions = array<i32: 0>} : vector<16xi32>
    %scan3A = arith.constant 0 : i32
    %scan3A_1 = arith.constant 0 : i32
    %scan3A_2 = arith.constant 25 : i32
    %scan3A_3 = arith.addi %scan3A_1, %scan3A_2 : i32
    %scan3A_4 = arith.constant 1 : i32
    scf.for %scan3A_6 = %scan3A_1 to %scan3A_3 step %scan3A_4  : i32 {
      %mul3A_7 = arith.constant 10000 : i32
      %mul3A_8 = arith.muli %add3A, %mul3A_7 : i32
      %mul3A_9 = arith.constant 400 : i32
      %mul3A_10 = arith.muli %scan3A_6, %mul3A_9 : i32
      %add3A_11 = arith.addi %mul3A_8, %mul3A_10 : i32
      "tpu.region"() ({
        %run_scoped3A = tpu.sem_alloc : memref<!tpu.dma_semaphore, #tpu.memory_space<semaphore_mem>>
        %dma_start3A_30 = tpu.memref_slice %arg4[%add3A_11] : memref<320000xi32, #tpu.memory_space<hbm>> -> memref<400xi32, #tpu.memory_space<hbm>>
        %dma_start3A_31 = tpu.memref_slice %arg4[%add3A_11] : memref<320000xi32, #tpu.memory_space<hbm>> -> memref<400xi32, #tpu.memory_space<hbm>>
        tpu.enqueue_dma source(%dma_start3A_31 : memref<400xi32, #tpu.memory_space<hbm>>) target(%arg9 : memref<400xi32, #tpu.memory_space<vmem>>) target_semaphore(%run_scoped3A : memref<!tpu.dma_semaphore, #tpu.memory_space<semaphore_mem>>)
        %dma_wait3A_32 = tpu.memref_slice %arg4[%add3A_11] : memref<320000xi32, #tpu.memory_space<hbm>> -> memref<400xi32, #tpu.memory_space<hbm>>
        %dma_wait3A_33 = tpu.memref_slice %arg4[%add3A_11] : memref<320000xi32, #tpu.memory_space<hbm>> -> memref<400xi32, #tpu.memory_space<hbm>>
        tpu.wait_dma2 semaphore(%run_scoped3A : memref<!tpu.dma_semaphore, #tpu.memory_space<semaphore_mem>>) src(%dma_wait3A_33 : memref<400xi32, #tpu.memory_space<hbm>>) dst(%arg9 : memref<400xi32, #tpu.memory_space<vmem>>)
        tpu.yield
      }) : () -> ()
      "tpu.region"() ({
        %run_scoped3A = tpu.sem_alloc : memref<!tpu.dma_semaphore, #tpu.memory_space<semaphore_mem>>
        %dma_start3A_30 = tpu.memref_slice %arg5[%add3A_11] : memref<320000xi32, #tpu.memory_space<hbm>> -> memref<400xi32, #tpu.memory_space<hbm>>
        %dma_start3A_31 = tpu.memref_slice %arg5[%add3A_11] : memref<320000xi32, #tpu.memory_space<hbm>> -> memref<400xi32, #tpu.memory_space<hbm>>
        tpu.enqueue_dma source(%dma_start3A_31 : memref<400xi32, #tpu.memory_space<hbm>>) target(%arg10 : memref<400xi32, #tpu.memory_space<vmem>>) target_semaphore(%run_scoped3A : memref<!tpu.dma_semaphore, #tpu.memory_space<semaphore_mem>>)
        %dma_wait3A_32 = tpu.memref_slice %arg5[%add3A_11] : memref<320000xi32, #tpu.memory_space<hbm>> -> memref<400xi32, #tpu.memory_space<hbm>>
        %dma_wait3A_33 = tpu.memref_slice %arg5[%add3A_11] : memref<320000xi32, #tpu.memory_space<hbm>> -> memref<400xi32, #tpu.memory_space<hbm>>
        tpu.wait_dma2 semaphore(%run_scoped3A : memref<!tpu.dma_semaphore, #tpu.memory_space<semaphore_mem>>) src(%dma_wait3A_33 : memref<400xi32, #tpu.memory_space<hbm>>) dst(%arg10 : memref<400xi32, #tpu.memory_space<vmem>>)
        tpu.yield
      }) : () -> ()
      %dma_start3A = arith.constant 0 : i32
      %dma_start3A_12 = arith.constant 0 : i32
      %dma_start3A_13 = tpu.memref_slice %arg2[%dma_start3A, %dma_start3A_12] : memref<10000x16xf32, #tpu.memory_space<hbm>> -> memref<10000x16xf32, #tpu.memory_space<hbm>>
      tpu.enqueue_indirect_dma source(%dma_start3A_13 : memref<10000x16xf32, #tpu.memory_space<hbm>>) target(%arg11 : memref<400x16xf32, #tpu.memory_space<vmem>>) offsets(%arg9 : memref<400xi32, #tpu.memory_space<vmem>>) semaphore(%arg16 : memref<!tpu.dma_semaphore, #tpu.memory_space<semaphore_mem>>)
      %dma_start3A_14 = arith.constant 0 : i32
      %dma_start3A_15 = arith.constant 0 : i32
      %dma_start3A_16 = tpu.memref_slice %arg3[%dma_start3A_14, %dma_start3A_15] : memref<10000x16xf32, #tpu.memory_space<hbm>> -> memref<10000x16xf32, #tpu.memory_space<hbm>>
      tpu.enqueue_indirect_dma source(%dma_start3A_16 : memref<10000x16xf32, #tpu.memory_space<hbm>>) target(%arg12 : memref<400x16xf32, #tpu.memory_space<vmem>>) offsets(%arg10 : memref<400xi32, #tpu.memory_space<vmem>>) semaphore(%arg17 : memref<!tpu.dma_semaphore, #tpu.memory_space<semaphore_mem>>)
      %dma_wait3A = arith.constant 0 : i32
      %dma_wait3A_17 = arith.constant 0 : i32
      %dma_wait3A_18 = tpu.memref_slice %arg2[%dma_wait3A, %dma_wait3A_17] : memref<10000x16xf32, #tpu.memory_space<hbm>> -> memref<10000x16xf32, #tpu.memory_space<hbm>>
      tpu.wait_indirect_dma semaphore(%arg16 : memref<!tpu.dma_semaphore, #tpu.memory_space<semaphore_mem>>) src(%dma_wait3A_18 : memref<10000x16xf32, #tpu.memory_space<hbm>>) dst(%arg11 : memref<400x16xf32, #tpu.memory_space<vmem>>)
      %dma_wait3A_19 = arith.constant 0 : i32
      %dma_wait3A_20 = arith.constant 0 : i32
      %dma_wait3A_21 = tpu.memref_slice %arg3[%dma_wait3A_19, %dma_wait3A_20] : memref<10000x16xf32, #tpu.memory_space<hbm>> -> memref<10000x16xf32, #tpu.memory_space<hbm>>
      tpu.wait_indirect_dma semaphore(%arg17 : memref<!tpu.dma_semaphore, #tpu.memory_space<semaphore_mem>>) src(%dma_wait3A_21 : memref<10000x16xf32, #tpu.memory_space<hbm>>) dst(%arg12 : memref<400x16xf32, #tpu.memory_space<vmem>>)
      %scan3A_22 = arith.constant 0 : i32
      %scan3A_23 = arith.constant 0 : i32
      %scan3A_24 = arith.constant 25 : i32
      %scan3A_25 = arith.addi %scan3A_23, %scan3A_24 : i32
      %scan3A_26 = arith.constant 1 : i32
      scf.for %scan3A_30 = %scan3A_23 to %scan3A_25 step %scan3A_26  : i32 {
        %mul3A_31 = arith.constant 16 : i32
        %mul3A_32 = arith.muli %scan3A_30, %mul3A_31 : i32
        %add3A_33 = vector.broadcast %mul3A_32 : i32 to vector<16xi32>
        %add3A_34 = arith.addi %add3A_33, %iota3A : vector<16xi32>
        %get3A = arith.index_cast %mul3A_32 : i32 to index
        %get3A_35 = tpu.vector_load %arg9[%get3A] {strides = array<i32>} : memref<400xi32, #tpu.memory_space<vmem>>, vector<16xi32>,
        %get3A_36 = arith.index_cast %mul3A_32 : i32 to index
        %get3A_37 = tpu.vector_load %arg10[%get3A_36] {strides = array<i32>} : memref<400xi32, #tpu.memory_space<vmem>>, vector<16xi32>,
        %broadcast_in_dim3A = arith.constant 0 : i32
        %broadcast_in_dim3A_38 = vector.broadcast %broadcast_in_dim3A : i32 to vector<16xi32>
        %gather3A = tpu.vector_load_idx %arg11[%add3A_34, %broadcast_in_dim3A_38] : memref<400x16xf32, #tpu.memory_space<vmem>>[vector<16xi32>, vector<16xi32>], vector<16xf32>,
        %broadcast_in_dim3A_39 = arith.constant 1 : i32
        %broadcast_in_dim3A_40 = vector.broadcast %broadcast_in_dim3A_39 : i32 to vector<16xi32>
        %gather3A_41 = tpu.vector_load_idx %arg11[%add3A_34, %broadcast_in_dim3A_40] : memref<400x16xf32, #tpu.memory_space<vmem>>[vector<16xi32>, vector<16xi32>], vector<16xf32>,
        %broadcast_in_dim3A_42 = arith.constant 2 : i32
        %broadcast_in_dim3A_43 = vector.broadcast %broadcast_in_dim3A_42 : i32 to vector<16xi32>
        %gather3A_44 = tpu.vector_load_idx %arg11[%add3A_34, %broadcast_in_dim3A_43] : memref<400x16xf32, #tpu.memory_space<vmem>>[vector<16xi32>, vector<16xi32>], vector<16xf32>,
        %broadcast_in_dim3A_45 = arith.constant 3 : i32
        %broadcast_in_dim3A_46 = vector.broadcast %broadcast_in_dim3A_45 : i32 to vector<16xi32>
        %gather3A_47 = tpu.vector_load_idx %arg11[%add3A_34, %broadcast_in_dim3A_46] : memref<400x16xf32, #tpu.memory_space<vmem>>[vector<16xi32>, vector<16xi32>], vector<16xf32>,
        %broadcast_in_dim3A_48 = arith.constant 4 : i32
        %broadcast_in_dim3A_49 = vector.broadcast %broadcast_in_dim3A_48 : i32 to vector<16xi32>
        %gather3A_50 = tpu.vector_load_idx %arg11[%add3A_34, %broadcast_in_dim3A_49] : memref<400x16xf32, #tpu.memory_space<vmem>>[vector<16xi32>, vector<16xi32>], vector<16xf32>,
        %broadcast_in_dim3A_51 = arith.constant 5 : i32
        %broadcast_in_dim3A_52 = vector.broadcast %broadcast_in_dim3A_51 : i32 to vector<16xi32>
        %gather3A_53 = tpu.vector_load_idx %arg11[%add3A_34, %broadcast_in_dim3A_52] : memref<400x16xf32, #tpu.memory_space<vmem>>[vector<16xi32>, vector<16xi32>], vector<16xf32>,
        %broadcast_in_dim3A_54 = arith.constant 6 : i32
        %broadcast_in_dim3A_55 = vector.broadcast %broadcast_in_dim3A_54 : i32 to vector<16xi32>
        %gather3A_56 = tpu.vector_load_idx %arg11[%add3A_34, %broadcast_in_dim3A_55] : memref<400x16xf32, #tpu.memory_space<vmem>>[vector<16xi32>, vector<16xi32>], vector<16xf32>,
        %broadcast_in_dim3A_57 = arith.constant 7 : i32
        %broadcast_in_dim3A_58 = vector.broadcast %broadcast_in_dim3A_57 : i32 to vector<16xi32>
        %gather3A_59 = tpu.vector_load_idx %arg11[%add3A_34, %broadcast_in_dim3A_58] : memref<400x16xf32, #tpu.memory_space<vmem>>[vector<16xi32>, vector<16xi32>], vector<16xf32>,
        %broadcast_in_dim3A_60 = arith.constant 0 : i32
        %broadcast_in_dim3A_61 = vector.broadcast %broadcast_in_dim3A_60 : i32 to vector<16xi32>
        %gather3A_62 = tpu.vector_load_idx %arg12[%add3A_34, %broadcast_in_dim3A_61] : memref<400x16xf32, #tpu.memory_space<vmem>>[vector<16xi32>, vector<16xi32>], vector<16xf32>,
        %broadcast_in_dim3A_63 = arith.constant 1 : i32
        %broadcast_in_dim3A_64 = vector.broadcast %broadcast_in_dim3A_63 : i32 to vector<16xi32>
        %gather3A_65 = tpu.vector_load_idx %arg12[%add3A_34, %broadcast_in_dim3A_64] : memref<400x16xf32, #tpu.memory_space<vmem>>[vector<16xi32>, vector<16xi32>], vector<16xf32>,
        %broadcast_in_dim3A_66 = arith.constant 2 : i32
        %broadcast_in_dim3A_67 = vector.broadcast %broadcast_in_dim3A_66 : i32 to vector<16xi32>
        %gather3A_68 = tpu.vector_load_idx %arg12[%add3A_34, %broadcast_in_dim3A_67] : memref<400x16xf32, #tpu.memory_space<vmem>>[vector<16xi32>, vector<16xi32>], vector<16xf32>,
        %broadcast_in_dim3A_69 = arith.constant 3 : i32
        %broadcast_in_dim3A_70 = vector.broadcast %broadcast_in_dim3A_69 : i32 to vector<16xi32>
        %gather3A_71 = tpu.vector_load_idx %arg12[%add3A_34, %broadcast_in_dim3A_70] : memref<400x16xf32, #tpu.memory_space<vmem>>[vector<16xi32>, vector<16xi32>], vector<16xf32>,
        %broadcast_in_dim3A_72 = arith.constant 4 : i32
        %broadcast_in_dim3A_73 = vector.broadcast %broadcast_in_dim3A_72 : i32 to vector<16xi32>
        %gather3A_74 = tpu.vector_load_idx %arg12[%add3A_34, %broadcast_in_dim3A_73] : memref<400x16xf32, #tpu.memory_space<vmem>>[vector<16xi32>, vector<16xi32>], vector<16xf32>,
        %broadcast_in_dim3A_75 = arith.constant 5 : i32
        %broadcast_in_dim3A_76 = vector.broadcast %broadcast_in_dim3A_75 : i32 to vector<16xi32>
        %gather3A_77 = tpu.vector_load_idx %arg12[%add3A_34, %broadcast_in_dim3A_76] : memref<400x16xf32, #tpu.memory_space<vmem>>[vector<16xi32>, vector<16xi32>], vector<16xf32>,
        %broadcast_in_dim3A_78 = arith.constant 6 : i32
        %broadcast_in_dim3A_79 = vector.broadcast %broadcast_in_dim3A_78 : i32 to vector<16xi32>
        %gather3A_80 = tpu.vector_load_idx %arg12[%add3A_34, %broadcast_in_dim3A_79] : memref<400x16xf32, #tpu.memory_space<vmem>>[vector<16xi32>, vector<16xi32>], vector<16xf32>,
        %broadcast_in_dim3A_81 = arith.constant 7 : i32
        %broadcast_in_dim3A_82 = vector.broadcast %broadcast_in_dim3A_81 : i32 to vector<16xi32>
        %gather3A_83 = tpu.vector_load_idx %arg12[%add3A_34, %broadcast_in_dim3A_82] : memref<400x16xf32, #tpu.memory_space<vmem>>[vector<16xi32>, vector<16xi32>], vector<16xf32>,
        %broadcast_in_dim3A_84 = arith.constant 8 : i32
        %broadcast_in_dim3A_85 = vector.broadcast %broadcast_in_dim3A_84 : i32 to vector<16xi32>
        %gather3A_86 = tpu.vector_load_idx %arg12[%add3A_34, %broadcast_in_dim3A_85] : memref<400x16xf32, #tpu.memory_space<vmem>>[vector<16xi32>, vector<16xi32>], vector<16xf32>,
        %broadcast_in_dim3A_87 = arith.constant 9 : i32
        %broadcast_in_dim3A_88 = vector.broadcast %broadcast_in_dim3A_87 : i32 to vector<16xi32>
        %gather3A_89 = tpu.vector_load_idx %arg12[%add3A_34, %broadcast_in_dim3A_88] : memref<400x16xf32, #tpu.memory_space<vmem>>[vector<16xi32>, vector<16xi32>], vector<16xf32>,
        %broadcast_in_dim3A_90 = arith.constant 10 : i32
        %broadcast_in_dim3A_91 = vector.broadcast %broadcast_in_dim3A_90 : i32 to vector<16xi32>
        %gather3A_92 = tpu.vector_load_idx %arg12[%add3A_34, %broadcast_in_dim3A_91] : memref<400x16xf32, #tpu.memory_space<vmem>>[vector<16xi32>, vector<16xi32>], vector<16xf32>,
        %broadcast_in_dim3A_93 = arith.constant 11 : i32
        %broadcast_in_dim3A_94 = vector.broadcast %broadcast_in_dim3A_93 : i32 to vector<16xi32>
        %gather3A_95 = tpu.vector_load_idx %arg12[%add3A_34, %broadcast_in_dim3A_94] : memref<400x16xf32, #tpu.memory_space<vmem>>[vector<16xi32>, vector<16xi32>], vector<16xf32>,
        %broadcast_in_dim3A_96 = arith.constant 12 : i32
        %broadcast_in_dim3A_97 = vector.broadcast %broadcast_in_dim3A_96 : i32 to vector<16xi32>
        %gather3A_98 = tpu.vector_load_idx %arg12[%add3A_34, %broadcast_in_dim3A_97] : memref<400x16xf32, #tpu.memory_space<vmem>>[vector<16xi32>, vector<16xi32>], vector<16xf32>,
        %broadcast_in_dim3A_99 = arith.constant 13 : i32
        %broadcast_in_dim3A_100 = vector.broadcast %broadcast_in_dim3A_99 : i32 to vector<16xi32>
        %gather3A_101 = tpu.vector_load_idx %arg12[%add3A_34, %broadcast_in_dim3A_100] : memref<400x16xf32, #tpu.memory_space<vmem>>[vector<16xi32>, vector<16xi32>], vector<16xf32>,
        %add3A_102 = arith.addf %gather3A_56, %gather3A_80 : vector<16xf32>
        %mul3A_103 = arith.constant 3.906250e-03 : f32
        %mul3A_104 = vector.broadcast %mul3A_103 : f32 to vector<16xf32>
        %mul3A_105 = arith.mulf %add3A_102, %mul3A_104 : vector<16xf32>
        %add3A_106 = arith.addf %gather3A_59, %gather3A_83 : vector<16xf32>
        %mul3A_107 = arith.constant 3.906250e-03 : f32
        %mul3A_108 = vector.broadcast %mul3A_107 : f32 to vector<16xf32>
        %mul3A_109 = arith.mulf %add3A_106, %mul3A_108 : vector<16xf32>
        %mul3A_110 = arith.mulf %mul3A_105, %mul3A_105 : vector<16xf32>
        %sub3A = arith.subf %mul3A_109, %mul3A_110 : vector<16xf32>
        %add3A_111 = arith.constant 9.99999974E-6 : f32
        %add3A_112 = vector.broadcast %add3A_111 : f32 to vector<16xf32>
        %add3A_113 = arith.addf %sub3A, %add3A_112 : vector<16xf32>
        %bitcast3A = vector.bitcast %add3A_113 : vector<16xf32> to vector<16xi32>
        %shift_right_arithmetic3A = arith.constant 1 : i32
        %shift_right_arithmetic3A_114 = vector.broadcast %shift_right_arithmetic3A : i32 to vector<16xi32>
        %shift_right_arithmetic3A_115 = arith.shrsi %bitcast3A, %shift_right_arithmetic3A_114 : vector<16xi32>
        %sub3A_116 = arith.constant 1597463007 : i32
        %sub3A_117 = vector.broadcast %sub3A_116 : i32 to vector<16xi32>
        %sub3A_118 = arith.subi %sub3A_117, %shift_right_arithmetic3A_115 : vector<16xi32>
        %bitcast3A_119 = vector.bitcast %sub3A_118 : vector<16xi32> to vector<16xf32>
        %mul3A_120 = arith.constant 5.000000e-01 : f32
        %mul3A_121 = vector.broadcast %mul3A_120 : f32 to vector<16xf32>
        %mul3A_122 = arith.mulf %mul3A_121, %add3A_113 : vector<16xf32>
        %mul3A_123 = arith.mulf %mul3A_122, %bitcast3A_119 : vector<16xf32>
        %mul3A_124 = arith.mulf %mul3A_123, %bitcast3A_119 : vector<16xf32>
        %sub3A_125 = arith.constant 1.500000e+00 : f32
        %sub3A_126 = vector.broadcast %sub3A_125 : f32 to vector<16xf32>
        %sub3A_127 = arith.subf %sub3A_126, %mul3A_124 : vector<16xf32>
        %mul3A_128 = arith.mulf %bitcast3A_119, %sub3A_127 : vector<16xf32>
        %mul3A_129 = arith.constant 5.000000e-01 : f32
        %mul3A_130 = vector.broadcast %mul3A_129 : f32 to vector<16xf32>
        %mul3A_131 = arith.mulf %mul3A_130, %add3A_113 : vector<16xf32>
        %mul3A_132 = arith.mulf %mul3A_131, %mul3A_128 : vector<16xf32>
        %mul3A_133 = arith.mulf %mul3A_132, %mul3A_128 : vector<16xf32>
        %sub3A_134 = arith.constant 1.500000e+00 : f32
        %sub3A_135 = vector.broadcast %sub3A_134 : f32 to vector<16xf32>
        %sub3A_136 = arith.subf %sub3A_135, %mul3A_133 : vector<16xf32>
        %mul3A_137 = arith.mulf %mul3A_128, %sub3A_136 : vector<16xf32>
        %mul3A_138 = arith.constant 5.000000e-01 : f32
        %mul3A_139 = vector.broadcast %mul3A_138 : f32 to vector<16xf32>
        %mul3A_140 = arith.mulf %mul3A_139, %add3A_113 : vector<16xf32>
        %mul3A_141 = arith.mulf %mul3A_140, %mul3A_137 : vector<16xf32>
        %mul3A_142 = arith.mulf %mul3A_141, %mul3A_137 : vector<16xf32>
        %sub3A_143 = arith.constant 1.500000e+00 : f32
        %sub3A_144 = vector.broadcast %sub3A_143 : f32 to vector<16xf32>
        %sub3A_145 = arith.subf %sub3A_144, %mul3A_142 : vector<16xf32>
        %mul3A_146 = arith.mulf %mul3A_137, %sub3A_145 : vector<16xf32>
        %add3A_147 = arith.addf %gather3A, %gather3A_62 : vector<16xf32>
        %mul3A_148 = arith.mulf %add3A_147, %mul3A_146 : vector<16xf32>
        %add3A_149 = arith.addf %mul3A_148, %gather3A_86 : vector<16xf32>
        %max3A = arith.constant -2.000000e+01 : f32
        %max3A_150 = vector.broadcast %max3A : f32 to vector<16xf32>
        %max3A_151 = arith.maximumf %add3A_149, %max3A_150 : vector<16xf32>
        %min3A = arith.constant 2.000000e+01 : f32
        %min3A_152 = vector.broadcast %min3A : f32 to vector<16xf32>
        %min3A_153 = arith.minimumf %max3A_151, %min3A_152 : vector<16xf32>
        %add3A_154 = arith.addf %min3A_153, %min3A_153 : vector<16xf32>
        %exp3A = math.exp %add3A_154 : vector<16xf32>
        %add3A_155 = arith.constant 1.000000e+00 : f32
        %add3A_156 = vector.broadcast %add3A_155 : f32 to vector<16xf32>
        %add3A_157 = arith.addf %exp3A, %add3A_156 : vector<16xf32>
        %bitcast3A_158 = vector.bitcast %add3A_157 : vector<16xf32> to vector<16xi32>
        %sub3A_159 = arith.constant 2129859011 : i32
        %sub3A_160 = vector.broadcast %sub3A_159 : i32 to vector<16xi32>
        %sub3A_161 = arith.subi %sub3A_160, %bitcast3A_158 : vector<16xi32>
        %bitcast3A_162 = vector.bitcast %sub3A_161 : vector<16xi32> to vector<16xf32>
        %mul3A_163 = arith.mulf %add3A_157, %bitcast3A_162 : vector<16xf32>
        %sub3A_164 = arith.constant 2.000000e+00 : f32
        %sub3A_165 = vector.broadcast %sub3A_164 : f32 to vector<16xf32>
        %sub3A_166 = arith.subf %sub3A_165, %mul3A_163 : vector<16xf32>
        %mul3A_167 = arith.mulf %bitcast3A_162, %sub3A_166 : vector<16xf32>
        %mul3A_168 = arith.mulf %add3A_157, %mul3A_167 : vector<16xf32>
        %sub3A_169 = arith.constant 2.000000e+00 : f32
        %sub3A_170 = vector.broadcast %sub3A_169 : f32 to vector<16xf32>
        %sub3A_171 = arith.subf %sub3A_170, %mul3A_168 : vector<16xf32>
        %mul3A_172 = arith.mulf %mul3A_167, %sub3A_171 : vector<16xf32>
        %mul3A_173 = arith.mulf %add3A_157, %mul3A_172 : vector<16xf32>
        %sub3A_174 = arith.constant 2.000000e+00 : f32
        %sub3A_175 = vector.broadcast %sub3A_174 : f32 to vector<16xf32>
        %sub3A_176 = arith.subf %sub3A_175, %mul3A_173 : vector<16xf32>
        %mul3A_177 = arith.mulf %mul3A_172, %sub3A_176 : vector<16xf32>
        %mul3A_178 = arith.constant 2.000000e+00 : f32
        %mul3A_179 = vector.broadcast %mul3A_178 : f32 to vector<16xf32>
        %mul3A_180 = arith.mulf %mul3A_179, %mul3A_177 : vector<16xf32>
        %sub3A_181 = arith.constant 1.000000e+00 : f32
        %sub3A_182 = vector.broadcast %sub3A_181 : f32 to vector<16xf32>
        %sub3A_183 = arith.subf %sub3A_182, %mul3A_180 : vector<16xf32>
        %add3A_184 = arith.addf %gather3A_41, %gather3A_65 : vector<16xf32>
        %mul3A_185 = arith.mulf %add3A_184, %mul3A_146 : vector<16xf32>
        %add3A_186 = arith.addf %mul3A_185, %gather3A_89 : vector<16xf32>
        %max3A_187 = arith.constant -2.000000e+01 : f32
        %max3A_188 = vector.broadcast %max3A_187 : f32 to vector<16xf32>
        %max3A_189 = arith.maximumf %add3A_186, %max3A_188 : vector<16xf32>
        %min3A_190 = arith.constant 2.000000e+01 : f32
        %min3A_191 = vector.broadcast %min3A_190 : f32 to vector<16xf32>
        %min3A_192 = arith.minimumf %max3A_189, %min3A_191 : vector<16xf32>
        %add3A_193 = arith.addf %min3A_192, %min3A_192 : vector<16xf32>
        %exp3A_194 = math.exp %add3A_193 : vector<16xf32>
        %add3A_195 = arith.constant 1.000000e+00 : f32
        %add3A_196 = vector.broadcast %add3A_195 : f32 to vector<16xf32>
        %add3A_197 = arith.addf %exp3A_194, %add3A_196 : vector<16xf32>
        %bitcast3A_198 = vector.bitcast %add3A_197 : vector<16xf32> to vector<16xi32>
        %sub3A_199 = arith.constant 2129859011 : i32
        %sub3A_200 = vector.broadcast %sub3A_199 : i32 to vector<16xi32>
        %sub3A_201 = arith.subi %sub3A_200, %bitcast3A_198 : vector<16xi32>
        %bitcast3A_202 = vector.bitcast %sub3A_201 : vector<16xi32> to vector<16xf32>
        %mul3A_203 = arith.mulf %add3A_197, %bitcast3A_202 : vector<16xf32>
        %sub3A_204 = arith.constant 2.000000e+00 : f32
        %sub3A_205 = vector.broadcast %sub3A_204 : f32 to vector<16xf32>
        %sub3A_206 = arith.subf %sub3A_205, %mul3A_203 : vector<16xf32>
        %mul3A_207 = arith.mulf %bitcast3A_202, %sub3A_206 : vector<16xf32>
        %mul3A_208 = arith.mulf %add3A_197, %mul3A_207 : vector<16xf32>
        %sub3A_209 = arith.constant 2.000000e+00 : f32
        %sub3A_210 = vector.broadcast %sub3A_209 : f32 to vector<16xf32>
        %sub3A_211 = arith.subf %sub3A_210, %mul3A_208 : vector<16xf32>
        %mul3A_212 = arith.mulf %mul3A_207, %sub3A_211 : vector<16xf32>
        %mul3A_213 = arith.mulf %add3A_197, %mul3A_212 : vector<16xf32>
        %sub3A_214 = arith.constant 2.000000e+00 : f32
        %sub3A_215 = vector.broadcast %sub3A_214 : f32 to vector<16xf32>
        %sub3A_216 = arith.subf %sub3A_215, %mul3A_213 : vector<16xf32>
        %mul3A_217 = arith.mulf %mul3A_212, %sub3A_216 : vector<16xf32>
        %mul3A_218 = arith.constant 2.000000e+00 : f32
        %mul3A_219 = vector.broadcast %mul3A_218 : f32 to vector<16xf32>
        %mul3A_220 = arith.mulf %mul3A_219, %mul3A_217 : vector<16xf32>
        %sub3A_221 = arith.constant 1.000000e+00 : f32
        %sub3A_222 = vector.broadcast %sub3A_221 : f32 to vector<16xf32>
        %sub3A_223 = arith.subf %sub3A_222, %mul3A_220 : vector<16xf32>
        %add3A_224 = arith.addf %gather3A_44, %gather3A_68 : vector<16xf32>
        %mul3A_225 = arith.mulf %add3A_224, %mul3A_146 : vector<16xf32>
        %add3A_226 = arith.addf %mul3A_225, %gather3A_92 : vector<16xf32>
        %max3A_227 = arith.constant -2.000000e+01 : f32
        %max3A_228 = vector.broadcast %max3A_227 : f32 to vector<16xf32>
        %max3A_229 = arith.maximumf %add3A_226, %max3A_228 : vector<16xf32>
        %min3A_230 = arith.constant 2.000000e+01 : f32
        %min3A_231 = vector.broadcast %min3A_230 : f32 to vector<16xf32>
        %min3A_232 = arith.minimumf %max3A_229, %min3A_231 : vector<16xf32>
        %add3A_233 = arith.addf %min3A_232, %min3A_232 : vector<16xf32>
        %exp3A_234 = math.exp %add3A_233 : vector<16xf32>
        %add3A_235 = arith.constant 1.000000e+00 : f32
        %add3A_236 = vector.broadcast %add3A_235 : f32 to vector<16xf32>
        %add3A_237 = arith.addf %exp3A_234, %add3A_236 : vector<16xf32>
        %bitcast3A_238 = vector.bitcast %add3A_237 : vector<16xf32> to vector<16xi32>
        %sub3A_239 = arith.constant 2129859011 : i32
        %sub3A_240 = vector.broadcast %sub3A_239 : i32 to vector<16xi32>
        %sub3A_241 = arith.subi %sub3A_240, %bitcast3A_238 : vector<16xi32>
        %bitcast3A_242 = vector.bitcast %sub3A_241 : vector<16xi32> to vector<16xf32>
        %mul3A_243 = arith.mulf %add3A_237, %bitcast3A_242 : vector<16xf32>
        %sub3A_244 = arith.constant 2.000000e+00 : f32
        %sub3A_245 = vector.broadcast %sub3A_244 : f32 to vector<16xf32>
        %sub3A_246 = arith.subf %sub3A_245, %mul3A_243 : vector<16xf32>
        %mul3A_247 = arith.mulf %bitcast3A_242, %sub3A_246 : vector<16xf32>
        %mul3A_248 = arith.mulf %add3A_237, %mul3A_247 : vector<16xf32>
        %sub3A_249 = arith.constant 2.000000e+00 : f32
        %sub3A_250 = vector.broadcast %sub3A_249 : f32 to vector<16xf32>
        %sub3A_251 = arith.subf %sub3A_250, %mul3A_248 : vector<16xf32>
        %mul3A_252 = arith.mulf %mul3A_247, %sub3A_251 : vector<16xf32>
        %mul3A_253 = arith.mulf %add3A_237, %mul3A_252 : vector<16xf32>
        %sub3A_254 = arith.constant 2.000000e+00 : f32
        %sub3A_255 = vector.broadcast %sub3A_254 : f32 to vector<16xf32>
        %sub3A_256 = arith.subf %sub3A_255, %mul3A_253 : vector<16xf32>
        %mul3A_257 = arith.mulf %mul3A_252, %sub3A_256 : vector<16xf32>
        %mul3A_258 = arith.constant 2.000000e+00 : f32
        %mul3A_259 = vector.broadcast %mul3A_258 : f32 to vector<16xf32>
        %mul3A_260 = arith.mulf %mul3A_259, %mul3A_257 : vector<16xf32>
        %sub3A_261 = arith.constant 1.000000e+00 : f32
        %sub3A_262 = vector.broadcast %sub3A_261 : f32 to vector<16xf32>
        %sub3A_263 = arith.subf %sub3A_262, %mul3A_260 : vector<16xf32>
        %add3A_264 = arith.addf %gather3A_47, %gather3A_71 : vector<16xf32>
        %mul3A_265 = arith.mulf %add3A_264, %mul3A_146 : vector<16xf32>
        %add3A_266 = arith.addf %mul3A_265, %gather3A_95 : vector<16xf32>
        %max3A_267 = arith.constant -2.000000e+01 : f32
        %max3A_268 = vector.broadcast %max3A_267 : f32 to vector<16xf32>
        %max3A_269 = arith.maximumf %add3A_266, %max3A_268 : vector<16xf32>
        %min3A_270 = arith.constant 2.000000e+01 : f32
        %min3A_271 = vector.broadcast %min3A_270 : f32 to vector<16xf32>
        %min3A_272 = arith.minimumf %max3A_269, %min3A_271 : vector<16xf32>
        %add3A_273 = arith.addf %min3A_272, %min3A_272 : vector<16xf32>
        %exp3A_274 = math.exp %add3A_273 : vector<16xf32>
        %add3A_275 = arith.constant 1.000000e+00 : f32
        %add3A_276 = vector.broadcast %add3A_275 : f32 to vector<16xf32>
        %add3A_277 = arith.addf %exp3A_274, %add3A_276 : vector<16xf32>
        %bitcast3A_278 = vector.bitcast %add3A_277 : vector<16xf32> to vector<16xi32>
        %sub3A_279 = arith.constant 2129859011 : i32
        %sub3A_280 = vector.broadcast %sub3A_279 : i32 to vector<16xi32>
        %sub3A_281 = arith.subi %sub3A_280, %bitcast3A_278 : vector<16xi32>
        %bitcast3A_282 = vector.bitcast %sub3A_281 : vector<16xi32> to vector<16xf32>
        %mul3A_283 = arith.mulf %add3A_277, %bitcast3A_282 : vector<16xf32>
        %sub3A_284 = arith.constant 2.000000e+00 : f32
        %sub3A_285 = vector.broadcast %sub3A_284 : f32 to vector<16xf32>
        %sub3A_286 = arith.subf %sub3A_285, %mul3A_283 : vector<16xf32>
        %mul3A_287 = arith.mulf %bitcast3A_282, %sub3A_286 : vector<16xf32>
        %mul3A_288 = arith.mulf %add3A_277, %mul3A_287 : vector<16xf32>
        %sub3A_289 = arith.constant 2.000000e+00 : f32
        %sub3A_290 = vector.broadcast %sub3A_289 : f32 to vector<16xf32>
        %sub3A_291 = arith.subf %sub3A_290, %mul3A_288 : vector<16xf32>
        %mul3A_292 = arith.mulf %mul3A_287, %sub3A_291 : vector<16xf32>
        %mul3A_293 = arith.mulf %add3A_277, %mul3A_292 : vector<16xf32>
        %sub3A_294 = arith.constant 2.000000e+00 : f32
        %sub3A_295 = vector.broadcast %sub3A_294 : f32 to vector<16xf32>
        %sub3A_296 = arith.subf %sub3A_295, %mul3A_293 : vector<16xf32>
        %mul3A_297 = arith.mulf %mul3A_292, %sub3A_296 : vector<16xf32>
        %mul3A_298 = arith.constant 2.000000e+00 : f32
        %mul3A_299 = vector.broadcast %mul3A_298 : f32 to vector<16xf32>
        %mul3A_300 = arith.mulf %mul3A_299, %mul3A_297 : vector<16xf32>
        %sub3A_301 = arith.constant 1.000000e+00 : f32
        %sub3A_302 = vector.broadcast %sub3A_301 : f32 to vector<16xf32>
        %sub3A_303 = arith.subf %sub3A_302, %mul3A_300 : vector<16xf32>
        %add3A_304 = arith.addf %gather3A_50, %gather3A_74 : vector<16xf32>
        %mul3A_305 = arith.mulf %add3A_304, %mul3A_146 : vector<16xf32>
        %add3A_306 = arith.addf %mul3A_305, %gather3A_98 : vector<16xf32>
        %max3A_307 = arith.constant -2.000000e+01 : f32
        %max3A_308 = vector.broadcast %max3A_307 : f32 to vector<16xf32>
        %max3A_309 = arith.maximumf %add3A_306, %max3A_308 : vector<16xf32>
        %min3A_310 = arith.constant 2.000000e+01 : f32
        %min3A_311 = vector.broadcast %min3A_310 : f32 to vector<16xf32>
        %min3A_312 = arith.minimumf %max3A_309, %min3A_311 : vector<16xf32>
        %add3A_313 = arith.addf %min3A_312, %min3A_312 : vector<16xf32>
        %exp3A_314 = math.exp %add3A_313 : vector<16xf32>
        %add3A_315 = arith.constant 1.000000e+00 : f32
        %add3A_316 = vector.broadcast %add3A_315 : f32 to vector<16xf32>
        %add3A_317 = arith.addf %exp3A_314, %add3A_316 : vector<16xf32>
        %bitcast3A_318 = vector.bitcast %add3A_317 : vector<16xf32> to vector<16xi32>
        %sub3A_319 = arith.constant 2129859011 : i32
        %sub3A_320 = vector.broadcast %sub3A_319 : i32 to vector<16xi32>
        %sub3A_321 = arith.subi %sub3A_320, %bitcast3A_318 : vector<16xi32>
        %bitcast3A_322 = vector.bitcast %sub3A_321 : vector<16xi32> to vector<16xf32>
        %mul3A_323 = arith.mulf %add3A_317, %bitcast3A_322 : vector<16xf32>
        %sub3A_324 = arith.constant 2.000000e+00 : f32
        %sub3A_325 = vector.broadcast %sub3A_324 : f32 to vector<16xf32>
        %sub3A_326 = arith.subf %sub3A_325, %mul3A_323 : vector<16xf32>
        %mul3A_327 = arith.mulf %bitcast3A_322, %sub3A_326 : vector<16xf32>
        %mul3A_328 = arith.mulf %add3A_317, %mul3A_327 : vector<16xf32>
        %sub3A_329 = arith.constant 2.000000e+00 : f32
        %sub3A_330 = vector.broadcast %sub3A_329 : f32 to vector<16xf32>
        %sub3A_331 = arith.subf %sub3A_330, %mul3A_328 : vector<16xf32>
        %mul3A_332 = arith.mulf %mul3A_327, %sub3A_331 : vector<16xf32>
        %mul3A_333 = arith.mulf %add3A_317, %mul3A_332 : vector<16xf32>
        %sub3A_334 = arith.constant 2.000000e+00 : f32
        %sub3A_335 = vector.broadcast %sub3A_334 : f32 to vector<16xf32>
        %sub3A_336 = arith.subf %sub3A_335, %mul3A_333 : vector<16xf32>
        %mul3A_337 = arith.mulf %mul3A_332, %sub3A_336 : vector<16xf32>
        %mul3A_338 = arith.constant 2.000000e+00 : f32
        %mul3A_339 = vector.broadcast %mul3A_338 : f32 to vector<16xf32>
        %mul3A_340 = arith.mulf %mul3A_339, %mul3A_337 : vector<16xf32>
        %sub3A_341 = arith.constant 1.000000e+00 : f32
        %sub3A_342 = vector.broadcast %sub3A_341 : f32 to vector<16xf32>
        %sub3A_343 = arith.subf %sub3A_342, %mul3A_340 : vector<16xf32>
        %add3A_344 = arith.addf %gather3A_53, %gather3A_77 : vector<16xf32>
        %mul3A_345 = arith.mulf %add3A_344, %mul3A_146 : vector<16xf32>
        %add3A_346 = arith.addf %mul3A_345, %gather3A_101 : vector<16xf32>
        %max3A_347 = arith.constant -2.000000e+01 : f32
        %max3A_348 = vector.broadcast %max3A_347 : f32 to vector<16xf32>
        %max3A_349 = arith.maximumf %add3A_346, %max3A_348 : vector<16xf32>
        %min3A_350 = arith.constant 2.000000e+01 : f32
        %min3A_351 = vector.broadcast %min3A_350 : f32 to vector<16xf32>
        %min3A_352 = arith.minimumf %max3A_349, %min3A_351 : vector<16xf32>
        %add3A_353 = arith.addf %min3A_352, %min3A_352 : vector<16xf32>
        %exp3A_354 = math.exp %add3A_353 : vector<16xf32>
        %add3A_355 = arith.constant 1.000000e+00 : f32
        %add3A_356 = vector.broadcast %add3A_355 : f32 to vector<16xf32>
        %add3A_357 = arith.addf %exp3A_354, %add3A_356 : vector<16xf32>
        %bitcast3A_358 = vector.bitcast %add3A_357 : vector<16xf32> to vector<16xi32>
        %sub3A_359 = arith.constant 2129859011 : i32
        %sub3A_360 = vector.broadcast %sub3A_359 : i32 to vector<16xi32>
        %sub3A_361 = arith.subi %sub3A_360, %bitcast3A_358 : vector<16xi32>
        %bitcast3A_362 = vector.bitcast %sub3A_361 : vector<16xi32> to vector<16xf32>
        %mul3A_363 = arith.mulf %add3A_357, %bitcast3A_362 : vector<16xf32>
        %sub3A_364 = arith.constant 2.000000e+00 : f32
        %sub3A_365 = vector.broadcast %sub3A_364 : f32 to vector<16xf32>
        %sub3A_366 = arith.subf %sub3A_365, %mul3A_363 : vector<16xf32>
        %mul3A_367 = arith.mulf %bitcast3A_362, %sub3A_366 : vector<16xf32>
        %mul3A_368 = arith.mulf %add3A_357, %mul3A_367 : vector<16xf32>
        %sub3A_369 = arith.constant 2.000000e+00 : f32
        %sub3A_370 = vector.broadcast %sub3A_369 : f32 to vector<16xf32>
        %sub3A_371 = arith.subf %sub3A_370, %mul3A_368 : vector<16xf32>
        %mul3A_372 = arith.mulf %mul3A_367, %sub3A_371 : vector<16xf32>
        %mul3A_373 = arith.mulf %add3A_357, %mul3A_372 : vector<16xf32>
        %sub3A_374 = arith.constant 2.000000e+00 : f32
        %sub3A_375 = vector.broadcast %sub3A_374 : f32 to vector<16xf32>
        %sub3A_376 = arith.subf %sub3A_375, %mul3A_373 : vector<16xf32>
        %mul3A_377 = arith.mulf %mul3A_372, %sub3A_376 : vector<16xf32>
        %mul3A_378 = arith.constant 2.000000e+00 : f32
        %mul3A_379 = vector.broadcast %mul3A_378 : f32 to vector<16xf32>
        %mul3A_380 = arith.mulf %mul3A_379, %mul3A_377 : vector<16xf32>
        %sub3A_381 = arith.constant 1.000000e+00 : f32
        %sub3A_382 = vector.broadcast %sub3A_381 : f32 to vector<16xf32>
        %sub3A_383 = arith.subf %sub3A_382, %mul3A_380 : vector<16xf32>
        %mul3A_384 = arith.mulf %sub3A_183, %sub3A_183 : vector<16xf32>
        %add3A_385 = arith.constant 1.000000e+00 : f32
        %add3A_386 = vector.broadcast %add3A_385 : f32 to vector<16xf32>
        %add3A_387 = arith.addf %add3A_386, %mul3A_384 : vector<16xf32>
        %mul3A_388 = arith.mulf %sub3A_223, %sub3A_223 : vector<16xf32>
        %add3A_389 = arith.addf %add3A_387, %mul3A_388 : vector<16xf32>
        %mul3A_390 = arith.mulf %sub3A_303, %sub3A_303 : vector<16xf32>
        %add3A_391 = arith.addf %add3A_389, %mul3A_390 : vector<16xf32>
        %bitcast3A_392 = vector.bitcast %add3A_391 : vector<16xf32> to vector<16xi32>
        %sub3A_393 = arith.constant 2129859011 : i32
        %sub3A_394 = vector.broadcast %sub3A_393 : i32 to vector<16xi32>
        %sub3A_395 = arith.subi %sub3A_394, %bitcast3A_392 : vector<16xi32>
        %bitcast3A_396 = vector.bitcast %sub3A_395 : vector<16xi32> to vector<16xf32>
        %mul3A_397 = arith.mulf %add3A_391, %bitcast3A_396 : vector<16xf32>
        %sub3A_398 = arith.constant 2.000000e+00 : f32
        %sub3A_399 = vector.broadcast %sub3A_398 : f32 to vector<16xf32>
        %sub3A_400 = arith.subf %sub3A_399, %mul3A_397 : vector<16xf32>
        %mul3A_401 = arith.mulf %bitcast3A_396, %sub3A_400 : vector<16xf32>
        %mul3A_402 = arith.mulf %add3A_391, %mul3A_401 : vector<16xf32>
        %sub3A_403 = arith.constant 2.000000e+00 : f32
        %sub3A_404 = vector.broadcast %sub3A_403 : f32 to vector<16xf32>
        %sub3A_405 = arith.subf %sub3A_404, %mul3A_402 : vector<16xf32>
        %mul3A_406 = arith.mulf %mul3A_401, %sub3A_405 : vector<16xf32>
        %mul3A_407 = arith.mulf %add3A_391, %mul3A_406 : vector<16xf32>
        %sub3A_408 = arith.constant 2.000000e+00 : f32
        %sub3A_409 = vector.broadcast %sub3A_408 : f32 to vector<16xf32>
        %sub3A_410 = arith.subf %sub3A_409, %mul3A_407 : vector<16xf32>
        %mul3A_411 = arith.mulf %mul3A_406, %sub3A_410 : vector<16xf32>
        %mul3A_412 = arith.constant 2.000000e+00 : f32
        %mul3A_413 = vector.broadcast %mul3A_412 : f32 to vector<16xf32>
        %mul3A_414 = arith.mulf %mul3A_413, %mul3A_411 : vector<16xf32>
        %mul3A_415 = arith.mulf %sub3A_263, %sub3A_263 : vector<16xf32>
        %add3A_416 = arith.constant 1.000000e+00 : f32
        %add3A_417 = vector.broadcast %add3A_416 : f32 to vector<16xf32>
        %add3A_418 = arith.addf %add3A_417, %mul3A_415 : vector<16xf32>
        %mul3A_419 = arith.mulf %sub3A_343, %sub3A_343 : vector<16xf32>
        %add3A_420 = arith.addf %add3A_418, %mul3A_419 : vector<16xf32>
        %bitcast3A_421 = vector.bitcast %add3A_420 : vector<16xf32> to vector<16xi32>
        %sub3A_422 = arith.constant 2129859011 : i32
        %sub3A_423 = vector.broadcast %sub3A_422 : i32 to vector<16xi32>
        %sub3A_424 = arith.subi %sub3A_423, %bitcast3A_421 : vector<16xi32>
        %bitcast3A_425 = vector.bitcast %sub3A_424 : vector<16xi32> to vector<16xf32>
        %mul3A_426 = arith.mulf %add3A_420, %bitcast3A_425 : vector<16xf32>
        %sub3A_427 = arith.constant 2.000000e+00 : f32
        %sub3A_428 = vector.broadcast %sub3A_427 : f32 to vector<16xf32>
        %sub3A_429 = arith.subf %sub3A_428, %mul3A_426 : vector<16xf32>
        %mul3A_430 = arith.mulf %bitcast3A_425, %sub3A_429 : vector<16xf32>
        %mul3A_431 = arith.mulf %add3A_420, %mul3A_430 : vector<16xf32>
        %sub3A_432 = arith.constant 2.000000e+00 : f32
        %sub3A_433 = vector.broadcast %sub3A_432 : f32 to vector<16xf32>
        %sub3A_434 = arith.subf %sub3A_433, %mul3A_431 : vector<16xf32>
        %mul3A_435 = arith.mulf %mul3A_430, %sub3A_434 : vector<16xf32>
        %mul3A_436 = arith.mulf %add3A_420, %mul3A_435 : vector<16xf32>
        %sub3A_437 = arith.constant 2.000000e+00 : f32
        %sub3A_438 = vector.broadcast %sub3A_437 : f32 to vector<16xf32>
        %sub3A_439 = arith.subf %sub3A_438, %mul3A_436 : vector<16xf32>
        %mul3A_440 = arith.mulf %mul3A_435, %sub3A_439 : vector<16xf32>
        %mul3A_441 = arith.constant 2.000000e+00 : f32
        %mul3A_442 = vector.broadcast %mul3A_441 : f32 to vector<16xf32>
        %mul3A_443 = arith.mulf %mul3A_442, %mul3A_440 : vector<16xf32>
        %mul3A_444 = arith.mulf %sub3A_383, %sub3A_383 : vector<16xf32>
        %add3A_445 = arith.constant 1.000000e+00 : f32
        %add3A_446 = vector.broadcast %add3A_445 : f32 to vector<16xf32>
        %add3A_447 = arith.addf %add3A_446, %mul3A_444 : vector<16xf32>
        %bitcast3A_448 = vector.bitcast %add3A_447 : vector<16xf32> to vector<16xi32>
        %sub3A_449 = arith.constant 2129859011 : i32
        %sub3A_450 = vector.broadcast %sub3A_449 : i32 to vector<16xi32>
        %sub3A_451 = arith.subi %sub3A_450, %bitcast3A_448 : vector<16xi32>
        %bitcast3A_452 = vector.bitcast %sub3A_451 : vector<16xi32> to vector<16xf32>
        %mul3A_453 = arith.mulf %add3A_447, %bitcast3A_452 : vector<16xf32>
        %sub3A_454 = arith.constant 2.000000e+00 : f32
        %sub3A_455 = vector.broadcast %sub3A_454 : f32 to vector<16xf32>
        %sub3A_456 = arith.subf %sub3A_455, %mul3A_453 : vector<16xf32>
        %mul3A_457 = arith.mulf %bitcast3A_452, %sub3A_456 : vector<16xf32>
        %mul3A_458 = arith.mulf %add3A_447, %mul3A_457 : vector<16xf32>
        %sub3A_459 = arith.constant 2.000000e+00 : f32
        %sub3A_460 = vector.broadcast %sub3A_459 : f32 to vector<16xf32>
        %sub3A_461 = arith.subf %sub3A_460, %mul3A_458 : vector<16xf32>
        %mul3A_462 = arith.mulf %mul3A_457, %sub3A_461 : vector<16xf32>
        %mul3A_463 = arith.mulf %add3A_447, %mul3A_462 : vector<16xf32>
        %sub3A_464 = arith.constant 2.000000e+00 : f32
        %sub3A_465 = vector.broadcast %sub3A_464 : f32 to vector<16xf32>
        %sub3A_466 = arith.subf %sub3A_465, %mul3A_463 : vector<16xf32>
        %mul3A_467 = arith.mulf %mul3A_462, %sub3A_466 : vector<16xf32>
        %mul3A_468 = arith.constant 2.000000e+00 : f32
        %mul3A_469 = vector.broadcast %mul3A_468 : f32 to vector<16xf32>
        %mul3A_470 = arith.mulf %mul3A_469, %mul3A_467 : vector<16xf32>
        %mul3A_471 = arith.constant -1.000000e+00 : f32
        %mul3A_472 = vector.broadcast %mul3A_471 : f32 to vector<16xf32>
        %mul3A_473 = arith.mulf %sub3A_383, %mul3A_472 : vector<16xf32>
        %sub3A_474 = arith.constant 1.000000e+00 : f32
        %sub3A_475 = vector.broadcast %sub3A_474 : f32 to vector<16xf32>
        %sub3A_476 = arith.subf %sub3A_475, %mul3A_470 : vector<16xf32>
        %mul3A_477 = arith.mulf %mul3A_470, %mul3A_473 : vector<16xf32>
        %sub3A_478 = arith.constant 0.000000e+00 : f32
        %sub3A_479 = vector.broadcast %sub3A_478 : f32 to vector<16xf32>
        %sub3A_480 = arith.subf %sub3A_479, %mul3A_477 : vector<16xf32>
        %mul3A_481 = arith.mulf %mul3A_470, %sub3A_383 : vector<16xf32>
        %sub3A_482 = arith.constant 0.000000e+00 : f32
        %sub3A_483 = vector.broadcast %sub3A_482 : f32 to vector<16xf32>
        %sub3A_484 = arith.subf %sub3A_483, %mul3A_481 : vector<16xf32>
        %mul3A_485 = arith.mulf %mul3A_481, %mul3A_473 : vector<16xf32>
        %sub3A_486 = arith.constant -1.000000e+00 : f32
        %sub3A_487 = vector.broadcast %sub3A_486 : f32 to vector<16xf32>
        %sub3A_488 = arith.subf %sub3A_487, %mul3A_485 : vector<16xf32>
        %mul3A_489 = arith.mulf %sub3A_263, %sub3A_476 : vector<16xf32>
        %mul3A_490 = arith.mulf %sub3A_343, %sub3A_484 : vector<16xf32>
        %add3A_491 = arith.addf %mul3A_489, %mul3A_490 : vector<16xf32>
        %mul3A_492 = arith.mulf %sub3A_263, %sub3A_480 : vector<16xf32>
        %mul3A_493 = arith.mulf %sub3A_343, %sub3A_488 : vector<16xf32>
        %add3A_494 = arith.addf %mul3A_492, %mul3A_493 : vector<16xf32>
        %sub3A_495 = arith.constant 1.000000e+00 : f32
        %sub3A_496 = vector.broadcast %sub3A_495 : f32 to vector<16xf32>
        %sub3A_497 = arith.subf %sub3A_496, %mul3A_443 : vector<16xf32>
        %mul3A_498 = arith.mulf %mul3A_443, %add3A_491 : vector<16xf32>
        %sub3A_499 = arith.constant 0.000000e+00 : f32
        %sub3A_500 = vector.broadcast %sub3A_499 : f32 to vector<16xf32>
        %sub3A_501 = arith.subf %sub3A_500, %mul3A_498 : vector<16xf32>
        %mul3A_502 = arith.mulf %mul3A_443, %add3A_494 : vector<16xf32>
        %sub3A_503 = arith.constant 0.000000e+00 : f32
        %sub3A_504 = vector.broadcast %sub3A_503 : f32 to vector<16xf32>
        %sub3A_505 = arith.subf %sub3A_504, %mul3A_502 : vector<16xf32>
        %mul3A_506 = arith.mulf %mul3A_443, %sub3A_263 : vector<16xf32>
        %sub3A_507 = arith.constant 0.000000e+00 : f32
        %sub3A_508 = vector.broadcast %sub3A_507 : f32 to vector<16xf32>
        %sub3A_509 = arith.subf %sub3A_508, %mul3A_506 : vector<16xf32>
        %mul3A_510 = arith.mulf %mul3A_506, %add3A_491 : vector<16xf32>
        %sub3A_511 = arith.subf %sub3A_476, %mul3A_510 : vector<16xf32>
        %mul3A_512 = arith.mulf %mul3A_506, %add3A_494 : vector<16xf32>
        %sub3A_513 = arith.subf %sub3A_480, %mul3A_512 : vector<16xf32>
        %mul3A_514 = arith.mulf %mul3A_443, %sub3A_343 : vector<16xf32>
        %sub3A_515 = arith.constant 0.000000e+00 : f32
        %sub3A_516 = vector.broadcast %sub3A_515 : f32 to vector<16xf32>
        %sub3A_517 = arith.subf %sub3A_516, %mul3A_514 : vector<16xf32>
        %mul3A_518 = arith.mulf %mul3A_514, %add3A_491 : vector<16xf32>
        %sub3A_519 = arith.subf %sub3A_484, %mul3A_518 : vector<16xf32>
        %mul3A_520 = arith.mulf %mul3A_514, %add3A_494 : vector<16xf32>
        %sub3A_521 = arith.subf %sub3A_488, %mul3A_520 : vector<16xf32>
        %mul3A_522 = arith.mulf %sub3A_183, %sub3A_497 : vector<16xf32>
        %mul3A_523 = arith.mulf %sub3A_223, %sub3A_509 : vector<16xf32>
        %add3A_524 = arith.addf %mul3A_522, %mul3A_523 : vector<16xf32>
        %mul3A_525 = arith.mulf %sub3A_303, %sub3A_517 : vector<16xf32>
        %add3A_526 = arith.addf %add3A_524, %mul3A_525 : vector<16xf32>
        %mul3A_527 = arith.mulf %sub3A_183, %sub3A_501 : vector<16xf32>
        %mul3A_528 = arith.mulf %sub3A_223, %sub3A_511 : vector<16xf32>
        %add3A_529 = arith.addf %mul3A_527, %mul3A_528 : vector<16xf32>
        %mul3A_530 = arith.mulf %sub3A_303, %sub3A_519 : vector<16xf32>
        %add3A_531 = arith.addf %add3A_529, %mul3A_530 : vector<16xf32>
        %mul3A_532 = arith.mulf %sub3A_183, %sub3A_505 : vector<16xf32>
        %mul3A_533 = arith.mulf %sub3A_223, %sub3A_513 : vector<16xf32>
        %add3A_534 = arith.addf %mul3A_532, %mul3A_533 : vector<16xf32>
        %mul3A_535 = arith.mulf %sub3A_303, %sub3A_521 : vector<16xf32>
        %add3A_536 = arith.addf %add3A_534, %mul3A_535 : vector<16xf32>
        %sub3A_537 = arith.constant 1.000000e+00 : f32
        %sub3A_538 = vector.broadcast %sub3A_537 : f32 to vector<16xf32>
        %sub3A_539 = arith.subf %sub3A_538, %mul3A_414 : vector<16xf32>
        %mul3A_540 = arith.mulf %mul3A_414, %add3A_526 : vector<16xf32>
        %sub3A_541 = arith.constant 0.000000e+00 : f32
        %sub3A_542 = vector.broadcast %sub3A_541 : f32 to vector<16xf32>
        %sub3A_543 = arith.subf %sub3A_542, %mul3A_540 : vector<16xf32>
        %mul3A_544 = arith.mulf %mul3A_414, %add3A_531 : vector<16xf32>
        %sub3A_545 = arith.constant 0.000000e+00 : f32
        %sub3A_546 = vector.broadcast %sub3A_545 : f32 to vector<16xf32>
        %sub3A_547 = arith.subf %sub3A_546, %mul3A_544 : vector<16xf32>
        %mul3A_548 = arith.mulf %mul3A_414, %add3A_536 : vector<16xf32>
        %sub3A_549 = arith.constant 0.000000e+00 : f32
        %sub3A_550 = vector.broadcast %sub3A_549 : f32 to vector<16xf32>
        %sub3A_551 = arith.subf %sub3A_550, %mul3A_548 : vector<16xf32>
        %mul3A_552 = arith.mulf %mul3A_414, %sub3A_183 : vector<16xf32>
        %sub3A_553 = arith.constant 0.000000e+00 : f32
        %sub3A_554 = vector.broadcast %sub3A_553 : f32 to vector<16xf32>
        %sub3A_555 = arith.subf %sub3A_554, %mul3A_552 : vector<16xf32>
        %mul3A_556 = arith.mulf %mul3A_552, %add3A_526 : vector<16xf32>
        %sub3A_557 = arith.subf %sub3A_497, %mul3A_556 : vector<16xf32>
        %mul3A_558 = arith.mulf %mul3A_552, %add3A_531 : vector<16xf32>
        %sub3A_559 = arith.subf %sub3A_501, %mul3A_558 : vector<16xf32>
        %mul3A_560 = arith.mulf %mul3A_552, %add3A_536 : vector<16xf32>
        %sub3A_561 = arith.subf %sub3A_505, %mul3A_560 : vector<16xf32>
        %mul3A_562 = arith.mulf %mul3A_414, %sub3A_223 : vector<16xf32>
        %sub3A_563 = arith.constant 0.000000e+00 : f32
        %sub3A_564 = vector.broadcast %sub3A_563 : f32 to vector<16xf32>
        %sub3A_565 = arith.subf %sub3A_564, %mul3A_562 : vector<16xf32>
        %mul3A_566 = arith.mulf %mul3A_562, %add3A_526 : vector<16xf32>
        %sub3A_567 = arith.subf %sub3A_509, %mul3A_566 : vector<16xf32>
        %mul3A_568 = arith.mulf %mul3A_562, %add3A_531 : vector<16xf32>
        %sub3A_569 = arith.subf %sub3A_511, %mul3A_568 : vector<16xf32>
        %mul3A_570 = arith.mulf %mul3A_562, %add3A_536 : vector<16xf32>
        %sub3A_571 = arith.subf %sub3A_513, %mul3A_570 : vector<16xf32>
        %mul3A_572 = arith.mulf %mul3A_414, %sub3A_303 : vector<16xf32>
        %sub3A_573 = arith.constant 0.000000e+00 : f32
        %sub3A_574 = vector.broadcast %sub3A_573 : f32 to vector<16xf32>
        %sub3A_575 = arith.subf %sub3A_574, %mul3A_572 : vector<16xf32>
        %mul3A_576 = arith.mulf %mul3A_572, %add3A_526 : vector<16xf32>
        %sub3A_577 = arith.subf %sub3A_517, %mul3A_576 : vector<16xf32>
        %mul3A_578 = arith.mulf %mul3A_572, %add3A_531 : vector<16xf32>
        %sub3A_579 = arith.subf %sub3A_519, %mul3A_578 : vector<16xf32>
        %mul3A_580 = arith.mulf %mul3A_572, %add3A_536 : vector<16xf32>
        %sub3A_581 = arith.subf %sub3A_521, %mul3A_580 : vector<16xf32>
        %mul3A_582 = arith.constant 16 : i32
        %mul3A_583 = vector.broadcast %mul3A_582 : i32 to vector<16xi32>
        %mul3A_584 = arith.muli %add3A_34, %mul3A_583 : vector<16xi32>
        %add3A_585 = arith.constant 0 : i32
        %add3A_586 = vector.broadcast %add3A_585 : i32 to vector<16xi32>
        %add3A_587 = arith.addi %mul3A_584, %add3A_586 : vector<16xi32>
        tpu.vector_store_idx %arg13[%add3A_587], %sub3A_539 : memref<6400xf32, #tpu.memory_space<vmem>>[vector<16xi32>], vector<16xf32>,
        %add3A_588 = arith.constant 1 : i32
        %add3A_589 = vector.broadcast %add3A_588 : i32 to vector<16xi32>
        %add3A_590 = arith.addi %mul3A_584, %add3A_589 : vector<16xi32>
        tpu.vector_store_idx %arg13[%add3A_590], %sub3A_543 : memref<6400xf32, #tpu.memory_space<vmem>>[vector<16xi32>], vector<16xf32>,
        %add3A_591 = arith.constant 2 : i32
        %add3A_592 = vector.broadcast %add3A_591 : i32 to vector<16xi32>
        %add3A_593 = arith.addi %mul3A_584, %add3A_592 : vector<16xi32>
        tpu.vector_store_idx %arg13[%add3A_593], %sub3A_547 : memref<6400xf32, #tpu.memory_space<vmem>>[vector<16xi32>], vector<16xf32>,
        %add3A_594 = arith.constant 3 : i32
        %add3A_595 = vector.broadcast %add3A_594 : i32 to vector<16xi32>
        %add3A_596 = arith.addi %mul3A_584, %add3A_595 : vector<16xi32>
        tpu.vector_store_idx %arg13[%add3A_596], %sub3A_551 : memref<6400xf32, #tpu.memory_space<vmem>>[vector<16xi32>], vector<16xf32>,
        %add3A_597 = arith.constant 4 : i32
        %add3A_598 = vector.broadcast %add3A_597 : i32 to vector<16xi32>
        %add3A_599 = arith.addi %mul3A_584, %add3A_598 : vector<16xi32>
        tpu.vector_store_idx %arg13[%add3A_599], %sub3A_555 : memref<6400xf32, #tpu.memory_space<vmem>>[vector<16xi32>], vector<16xf32>,
        %add3A_600 = arith.constant 5 : i32
        %add3A_601 = vector.broadcast %add3A_600 : i32 to vector<16xi32>
        %add3A_602 = arith.addi %mul3A_584, %add3A_601 : vector<16xi32>
        tpu.vector_store_idx %arg13[%add3A_602], %sub3A_557 : memref<6400xf32, #tpu.memory_space<vmem>>[vector<16xi32>], vector<16xf32>,
        %add3A_603 = arith.constant 6 : i32
        %add3A_604 = vector.broadcast %add3A_603 : i32 to vector<16xi32>
        %add3A_605 = arith.addi %mul3A_584, %add3A_604 : vector<16xi32>
        tpu.vector_store_idx %arg13[%add3A_605], %sub3A_559 : memref<6400xf32, #tpu.memory_space<vmem>>[vector<16xi32>], vector<16xf32>,
        %add3A_606 = arith.constant 7 : i32
        %add3A_607 = vector.broadcast %add3A_606 : i32 to vector<16xi32>
        %add3A_608 = arith.addi %mul3A_584, %add3A_607 : vector<16xi32>
        tpu.vector_store_idx %arg13[%add3A_608], %sub3A_561 : memref<6400xf32, #tpu.memory_space<vmem>>[vector<16xi32>], vector<16xf32>,
        %add3A_609 = arith.constant 8 : i32
        %add3A_610 = vector.broadcast %add3A_609 : i32 to vector<16xi32>
        %add3A_611 = arith.addi %mul3A_584, %add3A_610 : vector<16xi32>
        tpu.vector_store_idx %arg13[%add3A_611], %sub3A_565 : memref<6400xf32, #tpu.memory_space<vmem>>[vector<16xi32>], vector<16xf32>,
        %add3A_612 = arith.constant 9 : i32
        %add3A_613 = vector.broadcast %add3A_612 : i32 to vector<16xi32>
        %add3A_614 = arith.addi %mul3A_584, %add3A_613 : vector<16xi32>
        tpu.vector_store_idx %arg13[%add3A_614], %sub3A_567 : memref<6400xf32, #tpu.memory_space<vmem>>[vector<16xi32>], vector<16xf32>,
        %add3A_615 = arith.constant 10 : i32
        %add3A_616 = vector.broadcast %add3A_615 : i32 to vector<16xi32>
        %add3A_617 = arith.addi %mul3A_584, %add3A_616 : vector<16xi32>
        tpu.vector_store_idx %arg13[%add3A_617], %sub3A_569 : memref<6400xf32, #tpu.memory_space<vmem>>[vector<16xi32>], vector<16xf32>,
        %add3A_618 = arith.constant 11 : i32
        %add3A_619 = vector.broadcast %add3A_618 : i32 to vector<16xi32>
        %add3A_620 = arith.addi %mul3A_584, %add3A_619 : vector<16xi32>
        tpu.vector_store_idx %arg13[%add3A_620], %sub3A_571 : memref<6400xf32, #tpu.memory_space<vmem>>[vector<16xi32>], vector<16xf32>,
        %add3A_621 = arith.constant 12 : i32
        %add3A_622 = vector.broadcast %add3A_621 : i32 to vector<16xi32>
        %add3A_623 = arith.addi %mul3A_584, %add3A_622 : vector<16xi32>
        tpu.vector_store_idx %arg13[%add3A_623], %sub3A_575 : memref<6400xf32, #tpu.memory_space<vmem>>[vector<16xi32>], vector<16xf32>,
        %add3A_624 = arith.constant 13 : i32
        %add3A_625 = vector.broadcast %add3A_624 : i32 to vector<16xi32>
        %add3A_626 = arith.addi %mul3A_584, %add3A_625 : vector<16xi32>
        tpu.vector_store_idx %arg13[%add3A_626], %sub3A_577 : memref<6400xf32, #tpu.memory_space<vmem>>[vector<16xi32>], vector<16xf32>,
        %add3A_627 = arith.constant 14 : i32
        %add3A_628 = vector.broadcast %add3A_627 : i32 to vector<16xi32>
        %add3A_629 = arith.addi %mul3A_584, %add3A_628 : vector<16xi32>
        tpu.vector_store_idx %arg13[%add3A_629], %sub3A_579 : memref<6400xf32, #tpu.memory_space<vmem>>[vector<16xi32>], vector<16xf32>,
        %add3A_630 = arith.constant 15 : i32
        %add3A_631 = vector.broadcast %add3A_630 : i32 to vector<16xi32>
        %add3A_632 = arith.addi %mul3A_584, %add3A_631 : vector<16xi32>
        tpu.vector_store_idx %arg13[%add3A_632], %sub3A_581 : memref<6400xf32, #tpu.memory_space<vmem>>[vector<16xi32>], vector<16xf32>,
        %mul3A_633 = arith.constant 4 : i32
        %mul3A_634 = vector.broadcast %mul3A_633 : i32 to vector<16xi32>
        %mul3A_635 = arith.muli %get3A_35, %mul3A_634 : vector<16xi32>
        %mul3A_636 = arith.constant 4 : i32
        %mul3A_637 = vector.broadcast %mul3A_636 : i32 to vector<16xi32>
        %mul3A_638 = arith.muli %get3A_37, %mul3A_637 : vector<16xi32>
        %add3A_639 = arith.constant 0 : i32
        %add3A_640 = vector.broadcast %add3A_639 : i32 to vector<16xi32>
        %add3A_641 = arith.addi %mul3A_584, %add3A_640 : vector<16xi32>
        %add3A_642 = arith.constant 0 : i32
        %add3A_643 = vector.broadcast %add3A_642 : i32 to vector<16xi32>
        %add3A_644 = arith.addi %mul3A_635, %add3A_643 : vector<16xi32>
        tpu.vector_store_idx %arg14[%add3A_641], %add3A_644 : memref<6400xi32, #tpu.memory_space<vmem>>[vector<16xi32>], vector<16xi32>,
        %add3A_645 = arith.constant 0 : i32
        %add3A_646 = vector.broadcast %add3A_645 : i32 to vector<16xi32>
        %add3A_647 = arith.addi %mul3A_584, %add3A_646 : vector<16xi32>
        %add3A_648 = arith.constant 0 : i32
        %add3A_649 = vector.broadcast %add3A_648 : i32 to vector<16xi32>
        %add3A_650 = arith.addi %mul3A_638, %add3A_649 : vector<16xi32>
        tpu.vector_store_idx %arg15[%add3A_647], %add3A_650 : memref<6400xi32, #tpu.memory_space<vmem>>[vector<16xi32>], vector<16xi32>,
        %add3A_651 = arith.constant 1 : i32
        %add3A_652 = vector.broadcast %add3A_651 : i32 to vector<16xi32>
        %add3A_653 = arith.addi %mul3A_584, %add3A_652 : vector<16xi32>
        %add3A_654 = arith.constant 0 : i32
        %add3A_655 = vector.broadcast %add3A_654 : i32 to vector<16xi32>
        %add3A_656 = arith.addi %mul3A_635, %add3A_655 : vector<16xi32>
        tpu.vector_store_idx %arg14[%add3A_653], %add3A_656 : memref<6400xi32, #tpu.memory_space<vmem>>[vector<16xi32>], vector<16xi32>,
        %add3A_657 = arith.constant 1 : i32
        %add3A_658 = vector.broadcast %add3A_657 : i32 to vector<16xi32>
        %add3A_659 = arith.addi %mul3A_584, %add3A_658 : vector<16xi32>
        %add3A_660 = arith.constant 1 : i32
        %add3A_661 = vector.broadcast %add3A_660 : i32 to vector<16xi32>
        %add3A_662 = arith.addi %mul3A_638, %add3A_661 : vector<16xi32>
        tpu.vector_store_idx %arg15[%add3A_659], %add3A_662 : memref<6400xi32, #tpu.memory_space<vmem>>[vector<16xi32>], vector<16xi32>,
        %add3A_663 = arith.constant 2 : i32
        %add3A_664 = vector.broadcast %add3A_663 : i32 to vector<16xi32>
        %add3A_665 = arith.addi %mul3A_584, %add3A_664 : vector<16xi32>
        %add3A_666 = arith.constant 0 : i32
        %add3A_667 = vector.broadcast %add3A_666 : i32 to vector<16xi32>
        %add3A_668 = arith.addi %mul3A_635, %add3A_667 : vector<16xi32>
        tpu.vector_store_idx %arg14[%add3A_665], %add3A_668 : memref<6400xi32, #tpu.memory_space<vmem>>[vector<16xi32>], vector<16xi32>,
        %add3A_669 = arith.constant 2 : i32
        %add3A_670 = vector.broadcast %add3A_669 : i32 to vector<16xi32>
        %add3A_671 = arith.addi %mul3A_584, %add3A_670 : vector<16xi32>
        %add3A_672 = arith.constant 2 : i32
        %add3A_673 = vector.broadcast %add3A_672 : i32 to vector<16xi32>
        %add3A_674 = arith.addi %mul3A_638, %add3A_673 : vector<16xi32>
        tpu.vector_store_idx %arg15[%add3A_671], %add3A_674 : memref<6400xi32, #tpu.memory_space<vmem>>[vector<16xi32>], vector<16xi32>,
        %add3A_675 = arith.constant 3 : i32
        %add3A_676 = vector.broadcast %add3A_675 : i32 to vector<16xi32>
        %add3A_677 = arith.addi %mul3A_584, %add3A_676 : vector<16xi32>
        %add3A_678 = arith.constant 0 : i32
        %add3A_679 = vector.broadcast %add3A_678 : i32 to vector<16xi32>
        %add3A_680 = arith.addi %mul3A_635, %add3A_679 : vector<16xi32>
        tpu.vector_store_idx %arg14[%add3A_677], %add3A_680 : memref<6400xi32, #tpu.memory_space<vmem>>[vector<16xi32>], vector<16xi32>,
        %add3A_681 = arith.constant 3 : i32
        %add3A_682 = vector.broadcast %add3A_681 : i32 to vector<16xi32>
        %add3A_683 = arith.addi %mul3A_584, %add3A_682 : vector<16xi32>
        %add3A_684 = arith.constant 3 : i32
        %add3A_685 = vector.broadcast %add3A_684 : i32 to vector<16xi32>
        %add3A_686 = arith.addi %mul3A_638, %add3A_685 : vector<16xi32>
        tpu.vector_store_idx %arg15[%add3A_683], %add3A_686 : memref<6400xi32, #tpu.memory_space<vmem>>[vector<16xi32>], vector<16xi32>,
        %add3A_687 = arith.constant 4 : i32
        %add3A_688 = vector.broadcast %add3A_687 : i32 to vector<16xi32>
        %add3A_689 = arith.addi %mul3A_584, %add3A_688 : vector<16xi32>
        %add3A_690 = arith.constant 1 : i32
        %add3A_691 = vector.broadcast %add3A_690 : i32 to vector<16xi32>
        %add3A_692 = arith.addi %mul3A_635, %add3A_691 : vector<16xi32>
        tpu.vector_store_idx %arg14[%add3A_689], %add3A_692 : memref<6400xi32, #tpu.memory_space<vmem>>[vector<16xi32>], vector<16xi32>,
        %add3A_693 = arith.constant 4 : i32
        %add3A_694 = vector.broadcast %add3A_693 : i32 to vector<16xi32>
        %add3A_695 = arith.addi %mul3A_584, %add3A_694 : vector<16xi32>
        %add3A_696 = arith.constant 0 : i32
        %add3A_697 = vector.broadcast %add3A_696 : i32 to vector<16xi32>
        %add3A_698 = arith.addi %mul3A_638, %add3A_697 : vector<16xi32>
        tpu.vector_store_idx %arg15[%add3A_695], %add3A_698 : memref<6400xi32, #tpu.memory_space<vmem>>[vector<16xi32>], vector<16xi32>,
        %add3A_699 = arith.constant 5 : i32
        %add3A_700 = vector.broadcast %add3A_699 : i32 to vector<16xi32>
        %add3A_701 = arith.addi %mul3A_584, %add3A_700 : vector<16xi32>
        %add3A_702 = arith.constant 1 : i32
        %add3A_703 = vector.broadcast %add3A_702 : i32 to vector<16xi32>
        %add3A_704 = arith.addi %mul3A_635, %add3A_703 : vector<16xi32>
        tpu.vector_store_idx %arg14[%add3A_701], %add3A_704 : memref<6400xi32, #tpu.memory_space<vmem>>[vector<16xi32>], vector<16xi32>,
        %add3A_705 = arith.constant 5 : i32
        %add3A_706 = vector.broadcast %add3A_705 : i32 to vector<16xi32>
        %add3A_707 = arith.addi %mul3A_584, %add3A_706 : vector<16xi32>
        %add3A_708 = arith.constant 1 : i32
        %add3A_709 = vector.broadcast %add3A_708 : i32 to vector<16xi32>
        %add3A_710 = arith.addi %mul3A_638, %add3A_709 : vector<16xi32>
        tpu.vector_store_idx %arg15[%add3A_707], %add3A_710 : memref<6400xi32, #tpu.memory_space<vmem>>[vector<16xi32>], vector<16xi32>,
        %add3A_711 = arith.constant 6 : i32
        %add3A_712 = vector.broadcast %add3A_711 : i32 to vector<16xi32>
        %add3A_713 = arith.addi %mul3A_584, %add3A_712 : vector<16xi32>
        %add3A_714 = arith.constant 1 : i32
        %add3A_715 = vector.broadcast %add3A_714 : i32 to vector<16xi32>
        %add3A_716 = arith.addi %mul3A_635, %add3A_715 : vector<16xi32>
        tpu.vector_store_idx %arg14[%add3A_713], %add3A_716 : memref<6400xi32, #tpu.memory_space<vmem>>[vector<16xi32>], vector<16xi32>,
        %add3A_717 = arith.constant 6 : i32
        %add3A_718 = vector.broadcast %add3A_717 : i32 to vector<16xi32>
        %add3A_719 = arith.addi %mul3A_584, %add3A_718 : vector<16xi32>
        %add3A_720 = arith.constant 2 : i32
        %add3A_721 = vector.broadcast %add3A_720 : i32 to vector<16xi32>
        %add3A_722 = arith.addi %mul3A_638, %add3A_721 : vector<16xi32>
        tpu.vector_store_idx %arg15[%add3A_719], %add3A_722 : memref<6400xi32, #tpu.memory_space<vmem>>[vector<16xi32>], vector<16xi32>,
        %add3A_723 = arith.constant 7 : i32
        %add3A_724 = vector.broadcast %add3A_723 : i32 to vector<16xi32>
        %add3A_725 = arith.addi %mul3A_584, %add3A_724 : vector<16xi32>
        %add3A_726 = arith.constant 1 : i32
        %add3A_727 = vector.broadcast %add3A_726 : i32 to vector<16xi32>
        %add3A_728 = arith.addi %mul3A_635, %add3A_727 : vector<16xi32>
        tpu.vector_store_idx %arg14[%add3A_725], %add3A_728 : memref<6400xi32, #tpu.memory_space<vmem>>[vector<16xi32>], vector<16xi32>,
        %add3A_729 = arith.constant 7 : i32
        %add3A_730 = vector.broadcast %add3A_729 : i32 to vector<16xi32>
        %add3A_731 = arith.addi %mul3A_584, %add3A_730 : vector<16xi32>
        %add3A_732 = arith.constant 3 : i32
        %add3A_733 = vector.broadcast %add3A_732 : i32 to vector<16xi32>
        %add3A_734 = arith.addi %mul3A_638, %add3A_733 : vector<16xi32>
        tpu.vector_store_idx %arg15[%add3A_731], %add3A_734 : memref<6400xi32, #tpu.memory_space<vmem>>[vector<16xi32>], vector<16xi32>,
        %add3A_735 = arith.constant 8 : i32
        %add3A_736 = vector.broadcast %add3A_735 : i32 to vector<16xi32>
        %add3A_737 = arith.addi %mul3A_584, %add3A_736 : vector<16xi32>
        %add3A_738 = arith.constant 2 : i32
        %add3A_739 = vector.broadcast %add3A_738 : i32 to vector<16xi32>
        %add3A_740 = arith.addi %mul3A_635, %add3A_739 : vector<16xi32>
        tpu.vector_store_idx %arg14[%add3A_737], %add3A_740 : memref<6400xi32, #tpu.memory_space<vmem>>[vector<16xi32>], vector<16xi32>,
        %add3A_741 = arith.constant 8 : i32
        %add3A_742 = vector.broadcast %add3A_741 : i32 to vector<16xi32>
        %add3A_743 = arith.addi %mul3A_584, %add3A_742 : vector<16xi32>
        %add3A_744 = arith.constant 0 : i32
        %add3A_745 = vector.broadcast %add3A_744 : i32 to vector<16xi32>
        %add3A_746 = arith.addi %mul3A_638, %add3A_745 : vector<16xi32>
        tpu.vector_store_idx %arg15[%add3A_743], %add3A_746 : memref<6400xi32, #tpu.memory_space<vmem>>[vector<16xi32>], vector<16xi32>,
        %add3A_747 = arith.constant 9 : i32
        %add3A_748 = vector.broadcast %add3A_747 : i32 to vector<16xi32>
        %add3A_749 = arith.addi %mul3A_584, %add3A_748 : vector<16xi32>
        %add3A_750 = arith.constant 2 : i32
        %add3A_751 = vector.broadcast %add3A_750 : i32 to vector<16xi32>
        %add3A_752 = arith.addi %mul3A_635, %add3A_751 : vector<16xi32>
        tpu.vector_store_idx %arg14[%add3A_749], %add3A_752 : memref<6400xi32, #tpu.memory_space<vmem>>[vector<16xi32>], vector<16xi32>,
        %add3A_753 = arith.constant 9 : i32
        %add3A_754 = vector.broadcast %add3A_753 : i32 to vector<16xi32>
        %add3A_755 = arith.addi %mul3A_584, %add3A_754 : vector<16xi32>
        %add3A_756 = arith.constant 1 : i32
        %add3A_757 = vector.broadcast %add3A_756 : i32 to vector<16xi32>
        %add3A_758 = arith.addi %mul3A_638, %add3A_757 : vector<16xi32>
        tpu.vector_store_idx %arg15[%add3A_755], %add3A_758 : memref<6400xi32, #tpu.memory_space<vmem>>[vector<16xi32>], vector<16xi32>,
        %add3A_759 = arith.constant 10 : i32
        %add3A_760 = vector.broadcast %add3A_759 : i32 to vector<16xi32>
        %add3A_761 = arith.addi %mul3A_584, %add3A_760 : vector<16xi32>
        %add3A_762 = arith.constant 2 : i32
        %add3A_763 = vector.broadcast %add3A_762 : i32 to vector<16xi32>
        %add3A_764 = arith.addi %mul3A_635, %add3A_763 : vector<16xi32>
        tpu.vector_store_idx %arg14[%add3A_761], %add3A_764 : memref<6400xi32, #tpu.memory_space<vmem>>[vector<16xi32>], vector<16xi32>,
        %add3A_765 = arith.constant 10 : i32
        %add3A_766 = vector.broadcast %add3A_765 : i32 to vector<16xi32>
        %add3A_767 = arith.addi %mul3A_584, %add3A_766 : vector<16xi32>
        %add3A_768 = arith.constant 2 : i32
        %add3A_769 = vector.broadcast %add3A_768 : i32 to vector<16xi32>
        %add3A_770 = arith.addi %mul3A_638, %add3A_769 : vector<16xi32>
        tpu.vector_store_idx %arg15[%add3A_767], %add3A_770 : memref<6400xi32, #tpu.memory_space<vmem>>[vector<16xi32>], vector<16xi32>,
        %add3A_771 = arith.constant 11 : i32
        %add3A_772 = vector.broadcast %add3A_771 : i32 to vector<16xi32>
        %add3A_773 = arith.addi %mul3A_584, %add3A_772 : vector<16xi32>
        %add3A_774 = arith.constant 2 : i32
        %add3A_775 = vector.broadcast %add3A_774 : i32 to vector<16xi32>
        %add3A_776 = arith.addi %mul3A_635, %add3A_775 : vector<16xi32>
        tpu.vector_store_idx %arg14[%add3A_773], %add3A_776 : memref<6400xi32, #tpu.memory_space<vmem>>[vector<16xi32>], vector<16xi32>,
        %add3A_777 = arith.constant 11 : i32
        %add3A_778 = vector.broadcast %add3A_777 : i32 to vector<16xi32>
        %add3A_779 = arith.addi %mul3A_584, %add3A_778 : vector<16xi32>
        %add3A_780 = arith.constant 3 : i32
        %add3A_781 = vector.broadcast %add3A_780 : i32 to vector<16xi32>
        %add3A_782 = arith.addi %mul3A_638, %add3A_781 : vector<16xi32>
        tpu.vector_store_idx %arg15[%add3A_779], %add3A_782 : memref<6400xi32, #tpu.memory_space<vmem>>[vector<16xi32>], vector<16xi32>,
        %add3A_783 = arith.constant 12 : i32
        %add3A_784 = vector.broadcast %add3A_783 : i32 to vector<16xi32>
        %add3A_785 = arith.addi %mul3A_584, %add3A_784 : vector<16xi32>
        %add3A_786 = arith.constant 3 : i32
        %add3A_787 = vector.broadcast %add3A_786 : i32 to vector<16xi32>
        %add3A_788 = arith.addi %mul3A_635, %add3A_787 : vector<16xi32>
        tpu.vector_store_idx %arg14[%add3A_785], %add3A_788 : memref<6400xi32, #tpu.memory_space<vmem>>[vector<16xi32>], vector<16xi32>,
        %add3A_789 = arith.constant 12 : i32
        %add3A_790 = vector.broadcast %add3A_789 : i32 to vector<16xi32>
        %add3A_791 = arith.addi %mul3A_584, %add3A_790 : vector<16xi32>
        %add3A_792 = arith.constant 0 : i32
        %add3A_793 = vector.broadcast %add3A_792 : i32 to vector<16xi32>
        %add3A_794 = arith.addi %mul3A_638, %add3A_793 : vector<16xi32>
        tpu.vector_store_idx %arg15[%add3A_791], %add3A_794 : memref<6400xi32, #tpu.memory_space<vmem>>[vector<16xi32>], vector<16xi32>,
        %add3A_795 = arith.constant 13 : i32
        %add3A_796 = vector.broadcast %add3A_795 : i32 to vector<16xi32>
        %add3A_797 = arith.addi %mul3A_584, %add3A_796 : vector<16xi32>
        %add3A_798 = arith.constant 3 : i32
        %add3A_799 = vector.broadcast %add3A_798 : i32 to vector<16xi32>
        %add3A_800 = arith.addi %mul3A_635, %add3A_799 : vector<16xi32>
        tpu.vector_store_idx %arg14[%add3A_797], %add3A_800 : memref<6400xi32, #tpu.memory_space<vmem>>[vector<16xi32>], vector<16xi32>,
        %add3A_801 = arith.constant 13 : i32
        %add3A_802 = vector.broadcast %add3A_801 : i32 to vector<16xi32>
        %add3A_803 = arith.addi %mul3A_584, %add3A_802 : vector<16xi32>
        %add3A_804 = arith.constant 1 : i32
        %add3A_805 = vector.broadcast %add3A_804 : i32 to vector<16xi32>
        %add3A_806 = arith.addi %mul3A_638, %add3A_805 : vector<16xi32>
        tpu.vector_store_idx %arg15[%add3A_803], %add3A_806 : memref<6400xi32, #tpu.memory_space<vmem>>[vector<16xi32>], vector<16xi32>,
        %add3A_807 = arith.constant 14 : i32
        %add3A_808 = vector.broadcast %add3A_807 : i32 to vector<16xi32>
        %add3A_809 = arith.addi %mul3A_584, %add3A_808 : vector<16xi32>
        %add3A_810 = arith.constant 3 : i32
        %add3A_811 = vector.broadcast %add3A_810 : i32 to vector<16xi32>
        %add3A_812 = arith.addi %mul3A_635, %add3A_811 : vector<16xi32>
        tpu.vector_store_idx %arg14[%add3A_809], %add3A_812 : memref<6400xi32, #tpu.memory_space<vmem>>[vector<16xi32>], vector<16xi32>,
        %add3A_813 = arith.constant 14 : i32
        %add3A_814 = vector.broadcast %add3A_813 : i32 to vector<16xi32>
        %add3A_815 = arith.addi %mul3A_584, %add3A_814 : vector<16xi32>
        %add3A_816 = arith.constant 2 : i32
        %add3A_817 = vector.broadcast %add3A_816 : i32 to vector<16xi32>
        %add3A_818 = arith.addi %mul3A_638, %add3A_817 : vector<16xi32>
        tpu.vector_store_idx %arg15[%add3A_815], %add3A_818 : memref<6400xi32, #tpu.memory_space<vmem>>[vector<16xi32>], vector<16xi32>,
        %add3A_819 = arith.constant 15 : i32
        %add3A_820 = vector.broadcast %add3A_819 : i32 to vector<16xi32>
        %add3A_821 = arith.addi %mul3A_584, %add3A_820 : vector<16xi32>
        %add3A_822 = arith.constant 3 : i32
        %add3A_823 = vector.broadcast %add3A_822 : i32 to vector<16xi32>
        %add3A_824 = arith.addi %mul3A_635, %add3A_823 : vector<16xi32>
        tpu.vector_store_idx %arg14[%add3A_821], %add3A_824 : memref<6400xi32, #tpu.memory_space<vmem>>[vector<16xi32>], vector<16xi32>,
        %add3A_825 = arith.constant 15 : i32
        %add3A_826 = vector.broadcast %add3A_825 : i32 to vector<16xi32>
        %add3A_827 = arith.addi %mul3A_584, %add3A_826 : vector<16xi32>
        %add3A_828 = arith.constant 3 : i32
        %add3A_829 = vector.broadcast %add3A_828 : i32 to vector<16xi32>
        %add3A_830 = arith.addi %mul3A_638, %add3A_829 : vector<16xi32>
        tpu.vector_store_idx %arg15[%add3A_827], %add3A_830 : memref<6400xi32, #tpu.memory_space<vmem>>[vector<16xi32>], vector<16xi32>,
      }
      %scan3A_27 = arith.constant 25 : i32
      %mul3A_28 = arith.constant 16 : i32
      %mul3A_29 = arith.muli %add3A_11, %mul3A_28 : i32
      "tpu.region"() ({
        %run_scoped3A = tpu.sem_alloc : memref<!tpu.dma_semaphore, #tpu.memory_space<semaphore_mem>>
        %dma_start3A_30 = tpu.memref_slice %arg8[%mul3A_29] : memref<5120000xf32, #tpu.memory_space<hbm>> -> memref<6400xf32, #tpu.memory_space<hbm>>
        %dma_start3A_31 = tpu.memref_slice %arg8[%mul3A_29] : memref<5120000xf32, #tpu.memory_space<hbm>> -> memref<6400xf32, #tpu.memory_space<hbm>>
        tpu.enqueue_dma source(%arg13 : memref<6400xf32, #tpu.memory_space<vmem>>) target(%dma_start3A_31 : memref<6400xf32, #tpu.memory_space<hbm>>) target_semaphore(%run_scoped3A : memref<!tpu.dma_semaphore, #tpu.memory_space<semaphore_mem>>)
        %dma_wait3A_32 = tpu.memref_slice %arg8[%mul3A_29] : memref<5120000xf32, #tpu.memory_space<hbm>> -> memref<6400xf32, #tpu.memory_space<hbm>>
        %dma_wait3A_33 = tpu.memref_slice %arg8[%mul3A_29] : memref<5120000xf32, #tpu.memory_space<hbm>> -> memref<6400xf32, #tpu.memory_space<hbm>>
        tpu.wait_dma2 semaphore(%run_scoped3A : memref<!tpu.dma_semaphore, #tpu.memory_space<semaphore_mem>>) src(%arg13 : memref<6400xf32, #tpu.memory_space<vmem>>) dst(%dma_wait3A_33 : memref<6400xf32, #tpu.memory_space<hbm>>)
        tpu.yield
      }) : () -> ()
      "tpu.region"() ({
        %run_scoped3A = tpu.sem_alloc : memref<!tpu.dma_semaphore, #tpu.memory_space<semaphore_mem>>
        %dma_start3A_30 = tpu.memref_slice %arg6[%mul3A_29] : memref<5120000xi32, #tpu.memory_space<hbm>> -> memref<6400xi32, #tpu.memory_space<hbm>>
        %dma_start3A_31 = tpu.memref_slice %arg6[%mul3A_29] : memref<5120000xi32, #tpu.memory_space<hbm>> -> memref<6400xi32, #tpu.memory_space<hbm>>
        tpu.enqueue_dma source(%arg14 : memref<6400xi32, #tpu.memory_space<vmem>>) target(%dma_start3A_31 : memref<6400xi32, #tpu.memory_space<hbm>>) target_semaphore(%run_scoped3A : memref<!tpu.dma_semaphore, #tpu.memory_space<semaphore_mem>>)
        %dma_wait3A_32 = tpu.memref_slice %arg6[%mul3A_29] : memref<5120000xi32, #tpu.memory_space<hbm>> -> memref<6400xi32, #tpu.memory_space<hbm>>
        %dma_wait3A_33 = tpu.memref_slice %arg6[%mul3A_29] : memref<5120000xi32, #tpu.memory_space<hbm>> -> memref<6400xi32, #tpu.memory_space<hbm>>
        tpu.wait_dma2 semaphore(%run_scoped3A : memref<!tpu.dma_semaphore, #tpu.memory_space<semaphore_mem>>) src(%arg14 : memref<6400xi32, #tpu.memory_space<vmem>>) dst(%dma_wait3A_33 : memref<6400xi32, #tpu.memory_space<hbm>>)
        tpu.yield
      }) : () -> ()
      "tpu.region"() ({
        %run_scoped3A = tpu.sem_alloc : memref<!tpu.dma_semaphore, #tpu.memory_space<semaphore_mem>>
        %dma_start3A_30 = tpu.memref_slice %arg7[%mul3A_29] : memref<5120000xi32, #tpu.memory_space<hbm>> -> memref<6400xi32, #tpu.memory_space<hbm>>
        %dma_start3A_31 = tpu.memref_slice %arg7[%mul3A_29] : memref<5120000xi32, #tpu.memory_space<hbm>> -> memref<6400xi32, #tpu.memory_space<hbm>>
        tpu.enqueue_dma source(%arg15 : memref<6400xi32, #tpu.memory_space<vmem>>) target(%dma_start3A_31 : memref<6400xi32, #tpu.memory_space<hbm>>) target_semaphore(%run_scoped3A : memref<!tpu.dma_semaphore, #tpu.memory_space<semaphore_mem>>)
        %dma_wait3A_32 = tpu.memref_slice %arg7[%mul3A_29] : memref<5120000xi32, #tpu.memory_space<hbm>> -> memref<6400xi32, #tpu.memory_space<hbm>>
        %dma_wait3A_33 = tpu.memref_slice %arg7[%mul3A_29] : memref<5120000xi32, #tpu.memory_space<hbm>> -> memref<6400xi32, #tpu.memory_space<hbm>>
        tpu.wait_dma2 semaphore(%run_scoped3A : memref<!tpu.dma_semaphore, #tpu.memory_space<semaphore_mem>>) src(%arg15 : memref<6400xi32, #tpu.memory_space<vmem>>) dst(%dma_wait3A_33 : memref<6400xi32, #tpu.memory_space<hbm>>)
        tpu.yield
      }) : () -> ()
    }
    %scan3A_5 = arith.constant 25 : i32
    return
  }
}

module attributes {stable_mosaic.version = 14 : i64} {
  func.func @_tables_body(%arg0: i32, %arg1: memref<1600x128xf32, #tpu.memory_space<vmem>>, %arg2: memref<1600x128xf32, #tpu.memory_space<vmem>>, %arg3: memref<128x16xf32, #tpu.memory_space<vmem>>, %arg4: memref<128x16xf32, #tpu.memory_space<vmem>>, %arg5: memref<1x16xf32, #tpu.memory_space<vmem>>, %arg6: memref<400x16xf32, #tpu.memory_space<vmem>>, %arg7: memref<400x16xf32, #tpu.memory_space<vmem>>) attributes {dimension_semantics = [#tpu.dimension_semantics<arbitrary>], iteration_bounds = array<i64: 25>, scalar_prefetch = 0 : i64, scratch_operands = 0 : i64, tpu.core_type = #tpu.core_type<tc>, window_params = [{transform_indices = @transform_0, window_bounds = array<i64: 1600, 128>}, {transform_indices = @transform_1, window_bounds = array<i64: 1600, 128>}, {pipeline_mode = #tpu.pipeline_mode<synchronous>, transform_indices = @transform_2, window_bounds = array<i64: 128, 16>}, {pipeline_mode = #tpu.pipeline_mode<synchronous>, transform_indices = @transform_3, window_bounds = array<i64: 128, 16>}, {pipeline_mode = #tpu.pipeline_mode<synchronous>, transform_indices = @transform_4, window_bounds = array<i64: 1, 16>}, {transform_indices = @transform_5, window_bounds = array<i64: 400, 16>}, {transform_indices = @transform_6, window_bounds = array<i64: 400, 16>}]} {
    %get3A = arith.constant 0 : index
    %get3A_0 = arith.constant 0 : index
    %get3A_1 = vector.load %arg1[%get3A, %get3A_0] : memref<1600x128xf32, #tpu.memory_space<vmem>>, vector<1600x128xf32>
    %reshape3A = vector.shape_cast %get3A_1 : vector<1600x128xf32> to vector<400x4x128xf32>
    %reduce_sum3A = arith.constant dense<0.000000e+00> : vector<400x128xf32>
    %reduce_sum3A_2 = vector.multi_reduction <add>, %reshape3A, %reduce_sum3A [1] : vector<400x4x128xf32> to vector<400x128xf32>
    %div3A = arith.constant 4.000000e+00 : f32
    %div3A_3 = vector.broadcast %div3A : f32 to vector<400x128xf32>
    %div3A_4 = arith.divf %reduce_sum3A_2, %div3A_3 : vector<400x128xf32>
    %get3A_5 = arith.constant 0 : index
    %get3A_6 = arith.constant 0 : index
    %get3A_7 = vector.load %arg3[%get3A_5, %get3A_6] : memref<128x16xf32, #tpu.memory_space<vmem>>, vector<128x16xf32>
    %dot_general3A = arith.constant dense<0.000000e+00> : vector<400x16xf32>
    %dot_general3A_8 = tpu.matmul %div3A_4, %get3A_7, %dot_general3A {dimension_numbers = #tpu.dot_dimension_numbers<[1], [0], [0], [1], [0, 0, 1, 1], [], []>, precision = #tpu.contract_precision<fp32>, transpose_lhs_hint = false} : vector<400x128xf32>, vector<128x16xf32>, vector<400x16xf32> -> vector<400x16xf32>
    %mul3A = arith.mulf %div3A_4, %div3A_4 : vector<400x128xf32>
    %reduce_sum3A_9 = arith.constant dense<0.000000e+00> : vector<400xf32>
    %reduce_sum3A_10 = vector.multi_reduction <add>, %mul3A, %reduce_sum3A_9 [1] : vector<400x128xf32> to vector<400xf32>
    %broadcast_in_dim3A = vector.shape_cast %reduce_sum3A_10 : vector<400xf32> to vector<400x1xf32>
    %reduce_sum3A_11 = arith.constant dense<0.000000e+00> : vector<400xf32>
    %reduce_sum3A_12 = vector.multi_reduction <add>, %div3A_4, %reduce_sum3A_11 [1] : vector<400x128xf32> to vector<400xf32>
    %broadcast_in_dim3A_13 = vector.shape_cast %reduce_sum3A_12 : vector<400xf32> to vector<400x1xf32>
    %iota3A = tpu.iota {dimensions = array<i32: 1>} : vector<400x16xi32>
    %eq3A = arith.constant 7 : i32
    %eq3A_14 = vector.broadcast %eq3A : i32 to vector<400x16xi32>
    %eq3A_15 = arith.cmpi eq, %iota3A, %eq3A_14 : vector<400x16xi32>
    %eq3A_16 = arith.constant 6 : i32
    %eq3A_17 = vector.broadcast %eq3A_16 : i32 to vector<400x16xi32>
    %eq3A_18 = arith.cmpi eq, %iota3A, %eq3A_17 : vector<400x16xi32>
    %broadcast_in_dim3A_19 = vector.shape_cast %broadcast_in_dim3A_13 : vector<400x1xf32> to vector<400x1xf32>
    %broadcast_in_dim3A_20 = vector.broadcast %broadcast_in_dim3A_19 : vector<400x1xf32> to vector<400x16xf32>
    %select_n3A = arith.select %eq3A_18, %broadcast_in_dim3A_20, %dot_general3A_8 : vector<400x16xi1>, vector<400x16xf32>
    %broadcast_in_dim3A_21 = vector.shape_cast %broadcast_in_dim3A : vector<400x1xf32> to vector<400x1xf32>
    %broadcast_in_dim3A_22 = vector.broadcast %broadcast_in_dim3A_21 : vector<400x1xf32> to vector<400x16xf32>
    %select_n3A_23 = arith.select %eq3A_15, %broadcast_in_dim3A_22, %select_n3A : vector<400x16xi1>, vector<400x16xf32>
    %swap3A = arith.constant 0 : index
    %swap3A_24 = arith.constant 0 : index
    %swap3A_25 = vector.load %arg6[%swap3A, %swap3A_24] : memref<400x16xf32, #tpu.memory_space<vmem>>, vector<400x16xf32>
    tpu.vector_store %arg6[%swap3A, %swap3A_24], %select_n3A_23 {strides = array<i32>} : memref<400x16xf32, #tpu.memory_space<vmem>>, vector<400x16xf32>,
    %get3A_26 = arith.constant 0 : index
    %get3A_27 = arith.constant 0 : index
    %get3A_28 = vector.load %arg5[%get3A_26, %get3A_27] : memref<1x16xf32, #tpu.memory_space<vmem>>, vector<1x16xf32>
    %get3A_29 = arith.constant 0 : index
    %get3A_30 = arith.constant 0 : index
    %get3A_31 = vector.load %arg2[%get3A_29, %get3A_30] : memref<1600x128xf32, #tpu.memory_space<vmem>>, vector<1600x128xf32>
    %reshape3A_32 = vector.shape_cast %get3A_31 : vector<1600x128xf32> to vector<400x4x128xf32>
    %reduce_sum3A_33 = arith.constant dense<0.000000e+00> : vector<400x128xf32>
    %reduce_sum3A_34 = vector.multi_reduction <add>, %reshape3A_32, %reduce_sum3A_33 [1] : vector<400x4x128xf32> to vector<400x128xf32>
    %div3A_35 = arith.constant 4.000000e+00 : f32
    %div3A_36 = vector.broadcast %div3A_35 : f32 to vector<400x128xf32>
    %div3A_37 = arith.divf %reduce_sum3A_34, %div3A_36 : vector<400x128xf32>
    %get3A_38 = arith.constant 0 : index
    %get3A_39 = arith.constant 0 : index
    %get3A_40 = vector.load %arg4[%get3A_38, %get3A_39] : memref<128x16xf32, #tpu.memory_space<vmem>>, vector<128x16xf32>
    %dot_general3A_41 = arith.constant dense<0.000000e+00> : vector<400x16xf32>
    %dot_general3A_42 = tpu.matmul %div3A_37, %get3A_40, %dot_general3A_41 {dimension_numbers = #tpu.dot_dimension_numbers<[1], [0], [0], [1], [0, 0, 1, 1], [], []>, precision = #tpu.contract_precision<fp32>, transpose_lhs_hint = false} : vector<400x128xf32>, vector<128x16xf32>, vector<400x16xf32> -> vector<400x16xf32>
    %mul3A_43 = arith.mulf %div3A_37, %div3A_37 : vector<400x128xf32>
    %reduce_sum3A_44 = arith.constant dense<0.000000e+00> : vector<400xf32>
    %reduce_sum3A_45 = vector.multi_reduction <add>, %mul3A_43, %reduce_sum3A_44 [1] : vector<400x128xf32> to vector<400xf32>
    %broadcast_in_dim3A_46 = vector.shape_cast %reduce_sum3A_45 : vector<400xf32> to vector<400x1xf32>
    %reduce_sum3A_47 = arith.constant dense<0.000000e+00> : vector<400xf32>
    %reduce_sum3A_48 = vector.multi_reduction <add>, %div3A_37, %reduce_sum3A_47 [1] : vector<400x128xf32> to vector<400xf32>
    %broadcast_in_dim3A_49 = vector.shape_cast %reduce_sum3A_48 : vector<400xf32> to vector<400x1xf32>
    %iota3A_50 = tpu.iota {dimensions = array<i32: 1>} : vector<400x16xi32>
    %eq3A_51 = arith.constant 7 : i32
    %eq3A_52 = vector.broadcast %eq3A_51 : i32 to vector<400x16xi32>
    %eq3A_53 = arith.cmpi eq, %iota3A_50, %eq3A_52 : vector<400x16xi32>
    %eq3A_54 = arith.constant 6 : i32
    %eq3A_55 = vector.broadcast %eq3A_54 : i32 to vector<400x16xi32>
    %eq3A_56 = arith.cmpi eq, %iota3A_50, %eq3A_55 : vector<400x16xi32>
    %broadcast_in_dim3A_57 = vector.shape_cast %broadcast_in_dim3A_49 : vector<400x1xf32> to vector<400x1xf32>
    %broadcast_in_dim3A_58 = vector.broadcast %broadcast_in_dim3A_57 : vector<400x1xf32> to vector<400x16xf32>
    %select_n3A_59 = arith.select %eq3A_56, %broadcast_in_dim3A_58, %dot_general3A_42 : vector<400x16xi1>, vector<400x16xf32>
    %broadcast_in_dim3A_60 = vector.shape_cast %broadcast_in_dim3A_46 : vector<400x1xf32> to vector<400x1xf32>
    %broadcast_in_dim3A_61 = vector.broadcast %broadcast_in_dim3A_60 : vector<400x1xf32> to vector<400x16xf32>
    %select_n3A_62 = arith.select %eq3A_53, %broadcast_in_dim3A_61, %select_n3A_59 : vector<400x16xi1>, vector<400x16xf32>
    %add3A = vector.broadcast %get3A_28 : vector<1x16xf32> to vector<400x16xf32>
    %add3A_63 = arith.addf %select_n3A_62, %add3A : vector<400x16xf32>
    %swap3A_64 = arith.constant 0 : index
    %swap3A_65 = arith.constant 0 : index
    %swap3A_66 = vector.load %arg7[%swap3A_64, %swap3A_65] : memref<400x16xf32, #tpu.memory_space<vmem>>, vector<400x16xf32>
    tpu.vector_store %arg7[%swap3A_64, %swap3A_65], %add3A_63 {strides = array<i32>} : memref<400x16xf32, #tpu.memory_space<vmem>>, vector<400x16xf32>,
    return
  }
  func.func @transform_0(%arg0: i32) -> (i32, i32) {
    %c0_i32 = arith.constant 0 : i32
    %c0_i32_0 = arith.constant 0 : i32
    return %arg0, %c0_i32 : i32, i32
  }
  func.func @transform_1(%arg0: i32) -> (i32, i32) {
    %c0_i32 = arith.constant 0 : i32
    %c0_i32_0 = arith.constant 0 : i32
    return %arg0, %c0_i32 : i32, i32
  }
  func.func @transform_2(%arg0: i32) -> (i32, i32) {
    %c0_i32 = arith.constant 0 : i32
    %c0_i32_0 = arith.constant 0 : i32
    %c0_i32_1 = arith.constant 0 : i32
    return %c0_i32, %c0_i32_0 : i32, i32
  }
  func.func @transform_3(%arg0: i32) -> (i32, i32) {
    %c0_i32 = arith.constant 0 : i32
    %c0_i32_0 = arith.constant 0 : i32
    %c0_i32_1 = arith.constant 0 : i32
    return %c0_i32, %c0_i32_0 : i32, i32
  }
  func.func @transform_4(%arg0: i32) -> (i32, i32) {
    %c0_i32 = arith.constant 0 : i32
    %c0_i32_0 = arith.constant 0 : i32
    %c0_i32_1 = arith.constant 0 : i32
    return %c0_i32, %c0_i32_0 : i32, i32
  }
  func.func @transform_5(%arg0: i32) -> (i32, i32) {
    %c0_i32 = arith.constant 0 : i32
    %c0_i32_0 = arith.constant 0 : i32
    return %arg0, %c0_i32 : i32, i32
  }
  func.func @transform_6(%arg0: i32) -> (i32, i32) {
    %c0_i32 = arith.constant 0 : i32
    %c0_i32_0 = arith.constant 0 : i32
    return %arg0, %c0_i32 : i32, i32
  }
}

module attributes {stable_mosaic.version = 14 : i64} {
  func.func @_finish_body(%arg0: memref<5120000xi32, #tpu.memory_space<any>>, %arg1: memref<5120000xi32, #tpu.memory_space<any>>, %arg2: memref<5120000xf32, #tpu.memory_space<any>>, %arg3: memref<2x5120000xi32, #tpu.memory_space<any>>, %arg4: memref<5120000xf32, #tpu.memory_space<any>>, %arg5: memref<!tpu.dma_semaphore, #tpu.memory_space<semaphore_mem>>, %arg6: memref<!tpu.dma_semaphore, #tpu.memory_space<semaphore_mem>>, %arg7: memref<!tpu.dma_semaphore, #tpu.memory_space<semaphore_mem>>) attributes {dimension_semantics = [], scalar_prefetch = 0 : i64, scratch_operands = 3 : i64, tpu.core_type = #tpu.core_type<tc>} {
    %dma_start3A = arith.constant 0 : i32
    %dma_start3A_0 = arith.constant 0 : i32
    %dma_start3A_1 = tpu.memref_slice %arg3[%dma_start3A, %dma_start3A_0] : memref<2x5120000xi32, #tpu.memory_space<any>> -> memref<1x5120000xi32, #tpu.memory_space<any>>
    %dma_start3A_2 = tpu.memref_squeeze %dma_start3A_1 : memref<1x5120000xi32, #tpu.memory_space<any>> -> memref<5120000xi32, #tpu.memory_space<any>>
    tpu.enqueue_dma source(%arg0 : memref<5120000xi32, #tpu.memory_space<any>>) target(%dma_start3A_2 : memref<5120000xi32, #tpu.memory_space<any>>) target_semaphore(%arg5 : memref<!tpu.dma_semaphore, #tpu.memory_space<semaphore_mem>>)
    %dma_start3A_3 = arith.constant 1 : i32
    %dma_start3A_4 = arith.constant 0 : i32
    %dma_start3A_5 = tpu.memref_slice %arg3[%dma_start3A_3, %dma_start3A_4] : memref<2x5120000xi32, #tpu.memory_space<any>> -> memref<1x5120000xi32, #tpu.memory_space<any>>
    %dma_start3A_6 = tpu.memref_squeeze %dma_start3A_5 : memref<1x5120000xi32, #tpu.memory_space<any>> -> memref<5120000xi32, #tpu.memory_space<any>>
    tpu.enqueue_dma source(%arg1 : memref<5120000xi32, #tpu.memory_space<any>>) target(%dma_start3A_6 : memref<5120000xi32, #tpu.memory_space<any>>) target_semaphore(%arg6 : memref<!tpu.dma_semaphore, #tpu.memory_space<semaphore_mem>>)
    tpu.enqueue_dma source(%arg2 : memref<5120000xf32, #tpu.memory_space<any>>) target(%arg4 : memref<5120000xf32, #tpu.memory_space<any>>) target_semaphore(%arg7 : memref<!tpu.dma_semaphore, #tpu.memory_space<semaphore_mem>>)
    %dma_wait3A = arith.constant 0 : i32
    %dma_wait3A_7 = arith.constant 0 : i32
    %dma_wait3A_8 = tpu.memref_slice %arg3[%dma_wait3A, %dma_wait3A_7] : memref<2x5120000xi32, #tpu.memory_space<any>> -> memref<1x5120000xi32, #tpu.memory_space<any>>
    %dma_wait3A_9 = tpu.memref_squeeze %dma_wait3A_8 : memref<1x5120000xi32, #tpu.memory_space<any>> -> memref<5120000xi32, #tpu.memory_space<any>>
    tpu.wait_dma2 semaphore(%arg5 : memref<!tpu.dma_semaphore, #tpu.memory_space<semaphore_mem>>) src(%arg0 : memref<5120000xi32, #tpu.memory_space<any>>) dst(%dma_wait3A_9 : memref<5120000xi32, #tpu.memory_space<any>>)
    %dma_wait3A_10 = arith.constant 1 : i32
    %dma_wait3A_11 = arith.constant 0 : i32
    %dma_wait3A_12 = tpu.memref_slice %arg3[%dma_wait3A_10, %dma_wait3A_11] : memref<2x5120000xi32, #tpu.memory_space<any>> -> memref<1x5120000xi32, #tpu.memory_space<any>>
    %dma_wait3A_13 = tpu.memref_squeeze %dma_wait3A_12 : memref<1x5120000xi32, #tpu.memory_space<any>> -> memref<5120000xi32, #tpu.memory_space<any>>
    tpu.wait_dma2 semaphore(%arg6 : memref<!tpu.dma_semaphore, #tpu.memory_space<semaphore_mem>>) src(%arg1 : memref<5120000xi32, #tpu.memory_space<any>>) dst(%dma_wait3A_13 : memref<5120000xi32, #tpu.memory_space<any>>)
    tpu.wait_dma2 semaphore(%arg7 : memref<!tpu.dma_semaphore, #tpu.memory_space<semaphore_mem>>) src(%arg2 : memref<5120000xf32, #tpu.memory_space<any>>) dst(%arg4 : memref<5120000xf32, #tpu.memory_space<any>>)
    return
  }
}

</mosaic_0001>

<sc_bundles>
// kernel: kernel.5.cloned.1.call-start
scs
__scs_entry_jumppad:
0x0: {  	(pc) =	sbr.rel $0x88, $3  }
0x1: {  	(tag) =	ssettag $0x0;
	lr =	simm.s32 $0x1  }
0x2: {  	[smem:$0x3F9A] =	sst lr;
	_ =	strace $0xD0000000  }
0x3: {  	_ = 	snop  }
0x4: {  	_ = 	snop  }
0x5: {  	_ = 	snop  }
0x6: {  	_ = 	snop  }
0x7: {  	_ = 	snop  }
__scs_overlays_trampoline_lowered:
0x8: {  	[smem:$0x3FA9] =	sst s0  }
0x9: {  	[smem:$0x3FAA] =	sst s1  }
0xa: {  	[smem:$0x3FAB] =	sst s2  }
0xb: {  	[smem:$0x3FAC] =	sst s3  }
0xc: {  	[smem:$0x3FAD] =	sst s4  }
0xd: {  	[smem:$0x3FAE] =	sst s5  }
0xe: {  	[smem:$0x3FAF] =	sst s6  }
0xf: {  	[smem:$0x3FB0] =	sst s7  }
0x10: {  	[smem:$0x3FB1] =	sst s8  }
0x11: {  	[smem:$0x3FB2] =	sst s9;
	s0 =	simm.s32 @!p0 $0x0  }
0x12: {  	s1 =	sld [smem:$0x3F98];
	s0 =	simm.s32 @p0 $0x1  }
0x13: {  	[smem:$0x3FB3] =	sst s0;
	s0 =	simm.s32 @!p1 $0x0  }
0x14: {  	s2 =	sld [smem:$0x3F97];
	s0 =	simm.s32 @p1 $0x1  }
0x15: {  	[smem:$0x3FB4] =	sst s0;
	s0 =	simm.s32 @!p2 $0x0  }
0x16: {  	s3 =	sld [smem:$0x3FDB];
	s0 =	simm.s32 @p2 $0x1  }
0x17: {  	s4 =	simm.s32 $0x1BF5;
	[smem:$0x3FB6] =	sst s0  }
0x18: {  	s0 =	sld [smem:$0x3F99];
	_ =	swait.ge [sflag:s4], $0x0  }
0x19: {  	s7 =	sld [smem:$0x3F9A]  }
0x1a: {  	s8 =	sadd.s32 $0xFFFFE003, lr  }
0x1b: {  	s9 =	sadd.s32 $0xFFFFFEF7, lr;
	s5 =	simm.s32 $0xFFFFFFFF;
	p2 =	slt.u32 s8, $0xFFFFF086  }
0x1c: {  	p1 =	slt.u32 s9, $0xF7A;
	s5 =	simm.s32 @!p2 $0x0  }
0x1d: {  	s5 =	simm.s32 @p1 $0x1;
	p0 =	seq.s32 s7, s2  }
0x1e: {  	s7 =	smul.u32 @!p0 $0xF7A, s2;
	p2 =	seq.s32 @!p0 s5, $0x0  }
0x1f: {  	s9 =	smul.u32 $0xF7A, s1;
	s8 =	simm.s32 @!p0 $0x1BF5;
	p2 =	por !p2, p0  }
0x20: {  	[sflag:s8] =	ssyncset.s32 @!p0 $0xFFFFF086;
	s6 =	sadd.s32 @!p0 s3, s7;
	s7 =	simm.s32 @!p0 $0x108  }
0x21: {  	s3 =	sadd.s32 s3, s9;
	s6 =	sadd.s32 @!p0 $0x88, s6;
	s7 =	simm.s32 @p2 $0x1082  }
0x22: {  	[simem:s7], [sflag:s8] =	dma.local @!p0 [hbm:s6], $0xF7A  }
0x23: {  	s9 =	sor.u32 $0xD0000000, s2;
	s6 =	simm.s32 $0x108;
	_ =	swait.ge @!p0 [sflag:s8], $0x0  }
0x24: {  	s3 =	sadd.s32 $0x88, s3;
	s6 =	simm.s32 @!p1 $0x1082;
	[sflag:s4] =	ssyncset.s32 $0xFFFFF086  }
0x25: {  	[simem:s6], [sflag:s4] =	dma.local [hbm:s3], $0xF7A  }
0x26: {  	[smem:$0x3F9A] =	sst s1;
	(tag) =	ssettag s2;
	_ =	strace s9  }
0x27: {  	s1 =	sld [smem:$0x3FAA]  }
0x28: {  	s2 =	sld [smem:$0x3FAB]  }
0x29: {  	s4 =	sld [smem:$0x3FAD]  }
0x2a: {  	p0 =	seq.s32 s5, $0x0;
	s5 =	sld [smem:$0x3FAE]  }
0x2b: {  	s6 =	sld [smem:$0x3FAF]  }
0x2c: {  	s7 =	sld [smem:$0x3FB0]  }
0x2d: {  	s3 =	simm.s32 $0x108;
	s8 =	sld [smem:$0x3FB1]  }
0x2e: {  	s3 =	simm.s32 @!p0 $0x1082;
	s9 =	sld [smem:$0x3FB2]  }
0x2f: {  	lr =	sadd.s32 s0, s3;
	s0 =	sld [smem:$0x3FA9]  }
0x30: {  	s3 =	sld [smem:$0x3FAC]  }
0x31: {  	[smem:$0x3FB5] =	sst s10  }
0x32: {  	s10 =	sld [smem:$0x3FB3];
	_ =	sdelay $0x3  }
0x33: {  	p0 =	seq.s32 s10, $0x1;
	s10 =	sld [smem:$0x3FB5];
	_ =	sdelay $0x3  }
0x34: {  	[smem:$0x3FB5] =	sst s10  }
0x35: {  	s10 =	sld [smem:$0x3FB4];
	_ =	sdelay $0x3  }
0x36: {  	p1 =	seq.s32 s10, $0x1;
	s10 =	sld [smem:$0x3FB5];
	_ =	sdelay $0x3  }
0x37: {  	[smem:$0x3FB5] =	sst s10  }
0x38: {  	s10 =	sld [smem:$0x3FB6]  }
0x39: {  	_ = 	snop;
	(pc) =	sbr.ind lr, $3  }
0x3a: {  	_ = 	snop  }
0x3b: {  	_ = 	snop  }
0x3c: {  	p2 =	seq.s32 s10, $0x1;
	s10 =	sld [smem:$0x3FB5]  }
0x3d: {  	_ =	shalt  }
0x3e: {  	_ =	shalt  }
0x3f: {  	_ =	shalt  }
0x40: {  	_ =	shalt  }
0x41: {  	_ =	shalt  }
0x42: {  	_ =	shalt  }
0x43: {  	_ =	shalt  }
0x44: {  	_ =	shalt  }
0x45: {  	_ =	shalt  }
0x46: {  	_ =	shalt  }
0x47: {  	_ =	shalt  }
0x48: {  	_ =	shalt  }
0x49: {  	_ =	shalt  }
0x4a: {  	_ =	shalt  }
0x4b: {  	_ =	shalt  }
0x4c: {  	_ =	shalt  }
0x4d: {  	_ =	shalt  }
0x4e: {  	_ =	shalt  }
0x4f: {  	_ =	shalt  }
0x50: {  	_ =	shalt  }
0x51: {  	_ =	shalt  }
0x52: {  	_ =	shalt  }
0x53: {  	_ =	shalt  }
0x54: {  	_ =	shalt  }
0x55: {  	_ =	shalt  }
0x56: {  	_ =	shalt  }
0x57: {  	_ =	shalt  }
0x58: {  	_ =	shalt  }
0x59: {  	_ =	shalt  }
0x5a: {  	_ =	shalt  }
0x5b: {  	_ =	shalt  }
0x5c: {  	_ =	shalt  }
0x5d: {  	_ =	shalt  }
0x5e: {  	_ =	shalt  }
0x5f: {  	_ =	shalt  }
0x60: {  	_ =	shalt  }
0x61: {  	_ =	shalt  }
0x62: {  	_ =	shalt  }
0x63: {  	_ =	shalt  }
0x64: {  	_ =	shalt  }
0x65: {  	_ =	shalt  }
0x66: {  	_ =	shalt  }
0x67: {  	_ =	shalt  }
0x68: {  	_ =	shalt  }
0x69: {  	_ =	shalt  }
0x6a: {  	_ =	shalt  }
0x6b: {  	_ =	shalt  }
0x6c: {  	_ =	shalt  }
0x6d: {  	_ =	shalt  }
0x6e: {  	_ =	shalt  }
0x6f: {  	_ =	shalt  }
0x70: {  	_ =	shalt  }
0x71: {  	_ =	shalt  }
0x72: {  	_ =	shalt  }
0x73: {  	_ =	shalt  }
0x74: {  	_ =	shalt  }
0x75: {  	_ =	shalt  }
0x76: {  	_ =	shalt  }
0x77: {  	_ =	shalt  }
0x78: {  	_ =	shalt  }
0x79: {  	_ =	shalt  }
0x7a: {  	_ =	shalt  }
0x7b: {  	_ =	shalt  }
0x7c: {  	_ =	shalt  }
0x7d: {  	_ =	shalt  }
0x7e: {  	_ =	shalt  }
0x7f: {  	_ =	shalt  }
0x80: {  	_ =	shalt  }
0x81: {  	_ =	shalt  }
0x82: {  	_ =	shalt  }
0x83: {  	_ =	shalt  }
0x84: {  	_ =	shalt  }
0x85: {  	_ =	shalt  }
0x86: {  	_ =	shalt  }
0x87: {  	_ =	shalt  }
.Lfunc_end0:
.L_simem_size_0:
called_computation_lowered:
.L_overlay_start_0:
0x88: {  	s2 =	sld [smem:$0x3FD9]  }
0x89: {  	s3 =	sld [smem:$0x3FFE];
	_ =	sdelay $0x1  }
0x8a: {  	s1 =	srdreg.scid  }
0x8b: {  	s0 =	sand.u32 $0x1, s1  }
0x8c: {  	s14 =	sshll.u32 s0, $0xA;
	s2 =	sadd.s32 s3, s2  }
0x8d: {  	s2 =	sadd.s32 s2, s14  }
0x8e: {  	[smem:$0x3FC1] =	sst s2  }
0x8f: {  	_ = 	snop  }
0x90: {  	s2 =	sld [smem:$0x3FD0];
	_ =	sdelay $0x2  }
0x91: {  	s15 =	simm.s32 $0xA;
	s4 =	simm.s32 $0x10  }
0x92: {  	[smem:s4], [sflag:s15] =	dma.local [hbm:s2], $0x1  }
0x93: {  	_ =	swait.eq [sflag:s15], $0x1  }
0x94: {  	[sflag:s15] =	ssyncset.done $0x0  }
0x95: {  	s16 =	sld [smem:$0x10];
	[sflag:s15] =	ssyncadd.s32 $0xFFFFFFFF  }
0x96: {  	s17 =	sld [smem:$0x11];
	(tm) =	ssettm $0x1  }
0x97: {  	s18 =	sld [smem:$0x3FFB];
	_ =	sdelay $0x3  }
0x98: {  	_ =	strace s18  }
0x99: {  	s4 =	sld [smem:$0x3FFC];
	_ =	sdelay $0x3  }
0x9a: {  	_ =	strace s4  }
0x9b: {  	s4 =	sld [smem:$0x3FFD];
	_ =	sdelay $0x3  }
0x9c: {  	_ =	strace s4  }
0x9d: {  	_ =	strace $0x8FFFFFFF  }
0x9e: {  	s19 =	sld [smem:$0x3FDB];
	_ =	sdelay $0x1  }
0x9f: {  	s5 =	simm.s32 $_scs_section_size  }
0xa0: {  	s6 =	simm.s32 $_size__tile_overlayer_lowered;
	s7 =	simm.s32 $_tile_overlayer_lowered  }
0xa1: {  	s22 =	simm.s32 $0x1BFF;
	s21 =	sshll.u32 s7, $0x1;
	s4 =	sadd.s32 s5, s19  }
0xa2: {  	s8 =	simm.s32 $0x0;
	s20 =	sshll.u32 s6, $0x1;
	s6 =	sadd.s32 s21, s4  }
0xa3: {  	[timem:s8], [sflag:s22] =	dma.local [hbm:s6], s20  }
0xa4: {  	_ =	swait.ge [sflag:s22], s20  }
0xa5: {  	s5 =	ssub.s32 $0x0, s20;
	[sflag:s22] =	ssyncset.done $0x0  }
0xa6: {  	[sflag:s22] =	ssyncadd.s32 s5;
	_ =	sdelay $0x1  }
0xa7: {  	s23 =	simm.s32 $0x1B8B  }
0xa8: {  	_ =	swait.ge [sflag:s23], $0x1  }
0xa9: {  	[sflag:s23] =	ssyncset.done $0x0  }
0xaa: {  	s25 =	simm.s32 $0x1B8E;
	s24 =	sld [smem:$0x3FFE];
	[sflag:s23] =	ssyncadd.s32 $0xFFFFFFFF  }
0xab: {  	s26 =	simm.s32 $execute0_lowered;
	[smem:$0x3FD2] =	sst s25  }
0xac: {  	s6 =	sshll.u32 s26, $0x1;
	_ =	strace $0x80000046;
	[dreg:$0x1] =	wrdreg $0xFFFFFFFF  }
0xad: {  	s28 =	simm.s32 $_size_execute0_lowered;
	s4 =	sadd.s32 s4, s6;
	[dreg:$0x0] =	wrdreg $0x0  }
0xae: {  	s6 =	sshll.u32 s28, $0x1;
	[dreg:$0x2] =	wrdreg s4  }
0xaf: {  	[dreg:$0x3] =	wrdreg s6  }
0xb0: {  	[dreg:$0x4] =	wrdreg $0xC0  }
0xb1: {  	_ =	task [dreg:s8], $0x5FFFF  }
0xb2: {  	[dreg:$0x1] =	wrdreg $0xFFFFFFFF  }
0xb3: {  	[dreg:$0x0] =	wrdreg $0x60  }
0xb4: {  	[dreg:$0x2] =	wrdreg s24  }
0xb5: {  	[dreg:$0x3] =	wrdreg s16  }
0xb6: {  	[dreg:$0x4] =	wrdreg s17  }
0xb7: {  	[dreg:$0x5] =	wrdreg $0x9  }
0xb8: {  	_ =	task.clear_ibuf [dreg:s8], $0x6FFFF;
	_ =	strace $0x90000046  }
0xb9: {  	s29 =	simm.s32 $0x9;
	_ =	strace $0x80000048  }
0xba: {  	_ =	swait.ge [sflag:s29], $0x1  }
0xbb: {  	[sflag:s29] =	ssyncadd.s32 $0xFFFFFFFF  }
0xbc: {  	_ =	strace $0x90000048  }
0xbd: {  	_ =	sfence  }
0xbe: {  	s30 =	sld [smem:$0x0];
	_ =	sdelay $0x2  }
0xbf: {  	s31 =	sshll.u32 s1, $0xD;
	s1 =	sshrl.u32 s1, $0x2  }
0xc0: {  	s3 =	sand.u32 $0x4000, s31;
	s1 =	sadd.s32 s1, s30  }
0xc1: {  	s0 =	sor.u32 s3, s0;
	s1 =	sshll.u32 s1, $0x11  }
0xc2: {  	s0 =	sor.u32 s1, s0  }
0xc3: {  	s0 =	sadd.s32 $0x8F2B, s0  }
0xc4: {  	[sflag:s0] =	ssyncadd.remote.s32 $0x1  }
0xc5: {  	_ =	sfence.sel $0xFFFF  }
0xc6: {  	[dreg:$0x0] =	wrdreg $0xFFFFFFFF;
	(pc) =	sbr.abs _section_cstart, $3  }
0xc7: {  	[dreg:$0x1] =	wrdreg $0xFFFFFFFF  }
0xc8: {  	_ =	task.clear_ibuf [dreg:s8], $0x2FFFF;
	_ =	strace $0x9FFFFFFF  }
0xc9: {  	(tm) =	ssettm $0x7FFFFFFF  }
tec
execute0_lowered:
.L_overlay_start_1:
0x0: {  	(tag) =	ssettag $0x1  }
0x1: {  	s9 =	rddreg [dreg:$0x0]  }
0x2: {  	s1 =	rddreg [dreg:$0x1]  }
0x3: {  	s2 =	rddreg [dreg:$0x2]  }
0x4: {  	s0 =	rddreg [dreg:$0x3]  }
0x5: {  	s3 =	simm.s32 $0x0;
	s4 =	srdreg.scid;
	s14 =	simm.s32 $0x1C20  }
0x6: {  	s15 =	simm.s32 $0x1;
	s16 =	simm.s32 $0x2;
	s17 =	simm.s32 $0x3520  }
0x7: {  	s18 =	simm.s32 $0x4E20;
	s19 =	simm.s32 $0x6720;
	s20 =	simm.s32 $0x0  }
0x8: {  	[smem:$0x7FF] =	sst s3;
	s5 =	sadd.s32 $0xAA00, s9;
	s10 =	sand.u32 $0x1, s4  }
0x9: {  	s6 =	sadd.s32 $0xFA00, s9;
	s4 =	stileid.u32;
	s7 =	sadd.s32 $0xC00, s9  }
0xa: {  	s8 =	sadd.s32 $0x14A00, s9;
	s9 =	sadd.s32 $0xB0E00, s9;
	s11 =	ssub.s32 $0x2, s10  }
0xb: {  	_ =	strace $0x80000047;
	s13 =	sshll.u32 s4, $0x1;
	s12 =	sshrl.u32 s11, $0x1  }
0xc: {  	v0 =	vlaneseq.u32;
	s10 =	sor.u32 s10, s13;
	s13 =	simm.s32 $0x320;
	s11 =	ssub.s32 s11, s12  }
0xd: {  	v0 =	vmul.u32 $0x10, v0;
	s10 =	smul.u32 $0x2710, s10;
	s12 =	simm.s32 $0x3;
	s11 =	smax.u32 s11, $0x1  }
.LBB2_1:
0xe: {  	s21 =	simm.s32 $0x0  }
.LBB2_2:
0xf: {  	s22 =	smul.u32 $0x190, s21;
	_ =	sdelay $0x1  }
0x10: {  	s22 =	sadd.s32 s10, s22  }
0x11: {  	s24 =	sshrl.u32 s22, $0x3  }
0x12: {  	s23 =	simm.s32 $0x0;
	s25 =	sadd.s32 s7, s24  }
0x13: {  	[tilespmem:s23], [sflag:$0x3] =	stream.linear.gather [hbm4b:s25+s23], $0x190, $0x38;
	[tilespmem:$0x8020] =	vst v63  }
0x14: {  	_ =	swait.ge [sflag:s12], $0x190  }
0x15: {  	[sflag:s12] =	ssyncset.done $0x0  }
0x16: {  	s30 =	sadd.s32 s1, s24;
	s24 =	simm.s32 $0x190;
	[sflag:s12] =	ssyncadd.s32 $0xFFFFFE70  }
0x17: {  	[tilespmem:s24], [sflag:$0x3] =	stream.linear.gather [hbm4b:s30+s23], $0x190, $0x38;
	[tilespmem:$0x8020] =	vst v63  }
0x18: {  	_ =	swait.ge [sflag:s12], $0x190  }
0x19: {  	[sflag:s12] =	ssyncset.done $0x0  }
0x1a: {  	[sflag:s12] =	ssyncadd.s32 $0xFFFFFE70  }
0x1b: {  	[tilespmem:s13], [sflag:$0x1] =	stream.indirect.gather [hbm4b:s5+s24], $0x10, s23, s24, $0xb8;
	[tilespmem:$0x8020] =	vst v63  }
0x1c: {  	v1 =	vmov s23  }
0x1d: {  	v1 =	vshll.u32 v1, $0x4;
	[tilespmem:s14], [sflag:$0x2] =	stream.indirect.gather [hbm4b:s6+s24], $0x10, s24, s24, $0xb8;
	[tilespmem:$0x8020] =	vst v63  }
0x1e: {  	v6 =	vor.u32 v0, v1;
	_ =	swait.ge [sflag:s15], $0x1900  }
0x1f: {  	v4 =	vor.u32 $0x6, v6;
	[sflag:s15] =	ssyncset.done $0x0  }
0x20: {  	[sflag:s15] =	ssyncadd.s32 $0xFFFFE700  }
0x21: {  	v5 =	vor.u32 $0x7, v6;
	_ =	swait.ge [sflag:s16], $0x1900  }
0x22: {  	[sflag:s16] =	ssyncset.done $0x0  }
0x23: {  	[sflag:s16] =	ssyncadd.s32 $0xFFFFE700  }
0x24: {  	v1 =	vld.idx.msk [tilespmem:v4+s13+$0x0], $0xffff  }
0x25: {  	v2 =	vld.idx.msk [tilespmem:v4+s14+$0x0], $0xffff  }
0x26: {  	v3 =	vld.idx.msk [tilespmem:v5+s13+$0x0], $0xffff  }
0x27: {  	v7 =	vld.idx.msk [tilespmem:v5+s14+$0x0], $0xffff;
	_ =	sdelay $0x2  }
0x28: {  	v1 =	vadd.f32 v2, v1;
	_ =	sdelay $0x1  }
0x29: {  	v2 =	vadd.f32 v7, v3;
	v1 =	vmul.f32 $3.906250000e-03, v1;
	_ =	sdelay $0x1  }
0x2a: {  	v2 =	vmul.f32 $3.906250000e-03, v2;
	v1 =	vmul.f32 v1, v1;
	_ =	sdelay $0x1  }
0x2b: {  	v1 =	vsub.f32 v2, v1;
	_ =	sdelay $0x1  }
0x2c: {  	v1 =	vadd.f32 $9.999999740e-06, v1;
	_ =	sdelay $0x1  }
0x2d: {  	v2 =	vshra.s32 v1, $0x1;
	v3 =	vmul.f32 $5.000000000e-01, v1  }
0x2e: {  	v1 =	vsub.s32 $0x5F3759DF, v2  }
0x2f: {  	v2 =	vmul.f32 v1, v3;
	_ =	sdelay $0x1  }
0x30: {  	v2 =	vmul.f32 v1, v2;
	_ =	sdelay $0x1  }
0x31: {  	v2 =	vsub.f32 $1.500000000e+00, v2;
	_ =	sdelay $0x1  }
0x32: {  	v1 =	vmul.f32 v1, v2;
	_ =	sdelay $0x1  }
0x33: {  	v10 =	vor.u32 $0x2, v6;
	v2 =	vmul.f32 v1, v3  }
0x34: {  	v8 =	vor.u32 $0x5, v6  }
0x35: {  	v2 =	vmul.f32 v2, v1  }
0x36: {  	v9 =	vor.u32 $0x4, v6  }
0x37: {  	v2 =	vsub.f32 $1.500000000e+00, v2  }
0x38: {  	v12 =	vld.idx.msk [tilespmem:v10+s14+$0x0], $0xffff  }
0x39: {  	v14 =	vld.idx.msk [tilespmem:v8+s13+$0x0], $0xffff;
	v11 =	vmul.f32 v2, v1  }
0x3a: {  	v15 =	vld.idx.msk [tilespmem:v8+s14+$0x0], $0xffff  }
0x3b: {  	v16 =	vld.idx.msk [tilespmem:v9+s14+$0x0], $0xffff;
	v1 =	vor.u32 $0xD, v6;
	v3 =	vmul.f32 v11, v3  }
0x3c: {  	v17 =	vld.idx.msk [tilespmem:v9+s13+$0x0], $0xffff;
	v2 =	vor.u32 $0xC, v6  }
0x3d: {  	v18 =	vld.idx.msk [tilespmem:v10+s13+$0x0], $0xffff;
	v7 =	vor.u32 $0xA, v6;
	v3 =	vmul.f32 v3, v11;
	_ =	sdelay $0x1  }
0x3e: {  	v3 =	vsub.f32 $1.500000000e+00, v3  }
0x3f: {  	v19 =	vld.idx.msk [tilespmem:v1+s14+$0x0], $0xffff  }
0x40: {  	v13 =	vor.u32 $0x1, v6;
	v14 =	vadd.f32 v15, v14;
	v15 =	vmul.f32 v3, v11;
	v3 =	vld.idx.msk [tilespmem:v2+s14+$0x0], $0xffff  }
0x41: {  	v16 =	vadd.f32 v16, v17;
	v12 =	vadd.f32 v12, v18;
	v17 =	vld.idx.msk [tilespmem:v7+s14+$0x0], $0xffff  }
0x42: {  	v14 =	vmul.f32 v15, v14  }
0x43: {  	v16 =	vmul.f32 v15, v16;
	v20 =	vmul.f32 v15, v12;
	v12 =	vor.u32 $0x8, v6  }
0x44: {  	v21 =	vld.idx.msk [tilespmem:v6+s14+$0x0], $0xffff;
	v18 =	vadd.f32 v14, v19;
	v14 =	vor.u32 $0x3, v6  }
0x45: {  	v19 =	vld.idx.msk [tilespmem:v13+s14+$0x0], $0xffff;
	v3 =	vadd.f32 v16, v3  }
0x46: {  	v11 =	vor.u32 $0x9, v6;
	v17 =	vadd.f32 v20, v17;
	v16 =	vmax.f32 v18, $-2.000000000e+01;
	v18 =	vld.idx.msk [tilespmem:v6+s13+$0x0], $0xffff  }
0x47: {  	v20 =	vld.idx.msk [tilespmem:v13+s13+$0x0], $0xffff;
	v16 =	vmin.f32 v16, $2.000000000e+01;
	v3 =	vmax.f32 v3, $-2.000000000e+01  }
0x48: {  	v17 =	vmax.f32 v17, $-2.000000000e+01;
	v25 =	vld.idx.msk [tilespmem:v12+s14+$0x0], $0xffff;
	v16 =	vadd.f32 v16, v16;
	v3 =	vmin.f32 v3, $2.000000000e+01  }
0x49: {  	v17 =	vmin.f32 v17, $2.000000000e+01;
	v23 =	vld.idx.msk [tilespmem:v14+s14+$0x0], $0xffff;
	v24 =	vadd.f32 v3, v3;
	v3 =	vor.u32 $0xB, v6  }
0x4a: {  	v17 =	vadd.f32 v17, v17;
	v26 =	vld.idx.msk [tilespmem:v14+s13+$0x0], $0xffff;
	v16 =	vmul.f32 $1.442695020e+00, v16  }
0x4b: {  	v22 =	vld.idx.msk [tilespmem:v11+s14+$0x0], $0xffff;
	v18 =	vadd.f32 v21, v18;
	v21 =	vmul.f32 $1.442695020e+00, v24  }
0x4c: {  	v17 =	vmul.f32 $1.442695020e+00, v17;
	(erf) = vpow2.f32 v16;
	v16 =	vadd.f32 v19, v20  }
0x4d: {  	v18 =	vmul.f32 v15, v18;
	(erf) = vpow2.f32 v21  }
0x4e: {  	v16 =	vmul.f32 v15, v16;
	(erf) = vpow2.f32 v17;
	v17 =	vld.idx.msk [tilespmem:v3+s14+$0x0], $0xffff  }
0x4f: {  	v19 =	vadd.f32 v23, v26;
	v18 =	vadd.f32 v18, v25  }
0x50: {  	v16 =	vadd.f32 v16, v22  }
0x51: {  	v15 =	vmul.f32 v15, v19;
	v18 =	vmax.f32 v18, $-2.000000000e+01  }
0x52: {  	v18 =	vmin.f32 v18, $2.000000000e+01;
	v16 =	vmax.f32 v16, $-2.000000000e+01  }
0x53: {  	v18 =	vadd.f32 v18, v18;
	v16 =	vmin.f32 v16, $2.000000000e+01;
	v15 =	vadd.f32 v15, v17  }
0x54: {  	v16 =	vadd.f32 v16, v16  }
0x55: {  	v17 =	vpop (erf);
	v18 =	vmul.f32 $1.442695020e+00, v18;
	v15 =	vmax.f32 v15, $-2.000000000e+01  }
0x56: {  	v17 =	vadd.f32 $1.000000000e+00, v17;
	v16 =	vmul.f32 $1.442695020e+00, v16;
	v19 =	vpop (erf);
	v15 =	vmin.f32 v15, $2.000000000e+01  }
0x57: {  	(erf) = vpow2.f32 v18;
	v20 =	vpop (erf);
	v15 =	vadd.f32 v15, v15  }
0x58: {  	v18 =	vsub.s32 $0x7EF311C3, v17;
	(erf) = vpow2.f32 v16;
	v16 =	vadd.f32 $1.000000000e+00, v20  }
0x59: {  	v20 =	vmul.f32 v18, v17  }
0x5a: {  	v19 =	vadd.f32 $1.000000000e+00, v19;
	v15 =	vmul.f32 $1.442695020e+00, v15;
	v21 =	vsub.s32 $0x7EF311C3, v16  }
0x5b: {  	v20 =	vsub.f32 $2.000000000e+00, v20;
	v22 =	vmul.f32 v21, v16  }
0x5c: {  	v23 =	vsub.s32 $0x7EF311C3, v19;
	(erf) = vpow2.f32 v15  }
0x5d: {  	v15 =	vmul.f32 v23, v19;
	v18 =	vmul.f32 v18, v20;
	v20 =	vsub.f32 $2.000000000e+00, v22;
	_ =	sdelay $0x1  }
0x5e: {  	v15 =	vsub.f32 $2.000000000e+00, v15;
	v22 =	vmul.f32 v18, v17;
	v20 =	vmul.f32 v21, v20;
	_ =	sdelay $0x1  }
0x5f: {  	v15 =	vmul.f32 v23, v15;
	v21 =	vpop (erf);
	v22 =	vsub.f32 $2.000000000e+00, v22;
	v23 =	vmul.f32 v20, v16  }
0x60: {  	v21 =	vadd.f32 $1.000000000e+00, v21  }
0x61: {  	v61 =	vpop (erf);
	v62 =	vmul.f32 v15, v19;
	v18 =	vmul.f32 v22, v18;
	v23 =	vsub.f32 $2.000000000e+00, v23  }
0x62: {  	v24 =	vadd.f32 $1.000000000e+00, v61  }
0x63: {  	v22 =	vsub.s32 $0x7EF311C3, v21;
	v25 =	vsub.f32 $2.000000000e+00, v62;
	v17 =	vmul.f32 v18, v17  }
0x64: {  	v63 =	vmul.f32 v22, v21;
	v27 =	vsub.s32 $0x7EF311C3, v24;
	v20 =	vmul.f32 v23, v20  }
0x65: {  	v28 =	vmul.f32 v27, v24;
	v15 =	vmul.f32 v25, v15;
	v23 =	vpop (erf);
	v17 =	vsub.f32 $2.000000000e+00, v17  }
0x66: {  	v26 =	vsub.f32 $2.000000000e+00, v63;
	v16 =	vmul.f32 v20, v16;
	v23 =	vadd.f32 $1.000000000e+00, v23  }
0x67: {  	v30 =	vsub.f32 $2.000000000e+00, v28;
	v19 =	vmul.f32 v15, v19;
	v17 =	vmul.f32 v17, v18  }
0x68: {  	v22 =	vmul.f32 v22, v26;
	v16 =	vsub.f32 $2.000000000e+00, v16;
	v18 =	vsub.s32 $0x7EF311C3, v23  }
0x69: {  	v25 =	vmul.f32 v27, v30;
	v31 =	vmul.f32 v18, v23;
	v17 =	vadd.f32 v17, v17  }
0x6a: {  	v19 =	vsub.f32 $2.000000000e+00, v19;
	v32 =	vmul.f32 v22, v21;
	v16 =	vmul.f32 v16, v20  }
0x6b: {  	v20 =	vmul.f32 v25, v24;
	v26 =	vsub.f32 $2.000000000e+00, v31;
	v17 =	vsub.f32 $1.000000000e+00, v17  }
0x6c: {  	v15 =	vmul.f32 v19, v15;
	v27 =	vsub.f32 $2.000000000e+00, v32;
	v16 =	vadd.f32 v16, v16  }
0x6d: {  	v19 =	vsub.f32 $2.000000000e+00, v20;
	v18 =	vmul.f32 v18, v26;
	v20 =	vmul.f32 v17, v17  }
0x6e: {  	v15 =	vadd.f32 v15, v15;
	v16 =	vsub.f32 $1.000000000e+00, v16  }
0x6f: {  	v22 =	vmul.f32 v27, v22;
	v26 =	vmul.f32 v18, v23;
	v20 =	vadd.f32 $1.000000000e+00, v20  }
0x70: {  	v19 =	vmul.f32 v19, v25;
	v15 =	vsub.f32 $1.000000000e+00, v15;
	v33 =	vmul.f32 v16, v16  }
0x71: {  	v21 =	vmul.f32 v22, v21;
	v26 =	vsub.f32 $2.000000000e+00, v26;
	v34 =	vsub.s32 $0x7EF311C3, v20  }
0x72: {  	v35 =	vmul.f32 v15, v15;
	v25 =	vadd.f32 $1.000000000e+00, v33;
	v29 =	vmul.f32 v34, v20  }
0x73: {  	v24 =	vmul.f32 v19, v24;
	v21 =	vsub.f32 $2.000000000e+00, v21;
	v18 =	vmul.f32 v26, v18  }
0x74: {  	v25 =	vadd.f32 v25, v35;
	v36 =	vsub.f32 $2.000000000e+00, v29  }
0x75: {  	v24 =	vsub.f32 $2.000000000e+00, v24;
	v23 =	vmul.f32 v18, v23  }
0x76: {  	v21 =	vmul.f32 v21, v22;
	v22 =	vsub.s32 $0x7EF311C3, v25;
	v26 =	vmul.f32 v34, v36  }
0x77: {  	v19 =	vmul.f32 v24, v19;
	v37 =	vmul.f32 v22, v25;
	v23 =	vsub.f32 $2.000000000e+00, v23  }
0x78: {  	v21 =	vadd.f32 v21, v21;
	v27 =	vmul.f32 v26, v20  }
0x79: {  	v19 =	vadd.f32 v19, v19;
	v18 =	vmul.f32 v23, v18;
	v23 =	vsub.f32 $2.000000000e+00, v37  }
0x7a: {  	v21 =	vsub.f32 $1.000000000e+00, v21;
	v38 =	vsub.f32 $2.000000000e+00, v27  }
0x7b: {  	v19 =	vsub.f32 $1.000000000e+00, v19;
	v22 =	vmul.f32 v22, v23  }
0x7c: {  	v18 =	vadd.f32 v18, v18;
	v23 =	vmul.f32 v21, v21;
	v24 =	vmul.f32 v38, v26  }
0x7d: {  	v40 =	vmul.f32 v19, v19;
	v39 =	vmul.f32 v22, v25  }
0x7e: {  	v18 =	vsub.f32 $1.000000000e+00, v18;
	v23 =	vadd.f32 $1.000000000e+00, v23;
	v20 =	vmul.f32 v24, v20  }
0x7f: {  	v26 =	vsub.f32 $2.000000000e+00, v39  }
0x80: {  	v23 =	vadd.f32 v23, v40;
	v41 =	vmul.f32 v18, v18;
	v20 =	vsub.f32 $2.000000000e+00, v20  }
0x81: {  	v22 =	vmul.f32 v26, v22  }
0x82: {  	v23 =	vadd.f32 v23, v41;
	v20 =	vmul.f32 v20, v24  }
0x83: {  	v42 =	vmul.f32 v22, v25  }
0x84: {  	v43 =	vsub.s32 $0x7EF311C3, v23;
	v20 =	vadd.f32 v20, v20  }
0x85: {  	v44 =	vmul.f32 v43, v23;
	v24 =	vsub.f32 $2.000000000e+00, v42  }
0x86: {  	v45 =	vmul.f32 v20, v17  }
0x87: {  	v26 =	vsub.f32 $2.000000000e+00, v44;
	v20 =	vsub.f32 $1.000000000e+00, v20;
	v22 =	vmul.f32 v24, v22  }
0x88: {  	v46 =	vsub.f32 $0.0e+00, v45;
	v17 =	vmul.f32 v45, v17  }
0x89: {  	v25 =	vmul.f32 v43, v26;
	v47 =	vmul.f32 v20, v16;
	v22 =	vadd.f32 v22, v22  }
0x8a: {  	v27 =	vadd.f32 $0.0e+00, v45;
	v17 =	vadd.f32 $-1.000000000e+00, v17;
	v48 =	vmul.f32 v46, v15  }
0x8b: {  	v49 =	vmul.f32 v25, v23;
	v30 =	vsub.f32 $1.000000000e+00, v22;
	v31 =	vmul.f32 v22, v16  }
0x8c: {  	v16 =	vmul.f32 v27, v16;
	v26 =	vadd.f32 v48, v47;
	v50 =	vmul.f32 v17, v15  }
0x8d: {  	v29 =	vsub.f32 $2.000000000e+00, v49;
	v15 =	vmul.f32 v22, v15;
	v32 =	vsub.f32 $0.0e+00, v31  }
0x8e: {  	v33 =	vmul.f32 v30, v21;
	v16 =	vadd.f32 v50, v16;
	v51 =	vmul.f32 v26, v22  }
0x8f: {  	v34 =	vmul.f32 v26, v31;
	v25 =	vmul.f32 v29, v25  }
0x90: {  	v52 =	vsub.f32 $0.0e+00, v15;
	v35 =	vmul.f32 v32, v19;
	v22 =	vmul.f32 v16, v22  }
0x91: {  	v28 =	vsub.f32 $0.0e+00, v51;
	v31 =	vmul.f32 v16, v31;
	v16 =	vmul.f32 v16, v15  }
0x92: {  	v53 =	vmul.f32 v52, v18;
	v23 =	vmul.f32 v25, v23;
	v20 =	vsub.f32 v20, v34  }
0x93: {  	v15 =	vmul.f32 v26, v15;
	v33 =	vadd.f32 v35, v33;
	v22 =	vsub.f32 $0.0e+00, v22  }
0x94: {  	v54 =	vsub.f32 v27, v31;
	v55 =	vmul.f32 v28, v21;
	v23 =	vsub.f32 $2.000000000e+00, v23  }
0x95: {  	v24 =	vsub.f32 v46, v15;
	v15 =	vmul.f32 v20, v19;
	v56 =	vmul.f32 v22, v21  }
0x96: {  	v17 =	vsub.f32 v17, v16;
	v16 =	vmul.f32 v54, v19;
	v23 =	vmul.f32 v23, v25  }
0x97: {  	v57 =	vadd.f32 v33, v53;
	v15 =	vadd.f32 v15, v55;
	v58 =	vmul.f32 v24, v18  }
0x98: {  	v59 =	vmul.f32 v17, v18;
	v16 =	vadd.f32 v16, v56;
	v23 =	vadd.f32 v23, v23  }
0x99: {  	v27 =	vadd.f32 v15, v58  }
0x9a: {  	v31 =	vadd.f32 v16, v59;
	v15 =	vmul.f32 v57, v23  }
0x9b: {  	v16 =	vsub.f32 $1.000000000e+00, v23;
	v61 =	vmul.f32 v27, v23  }
0x9c: {  	v60 =	vld [tilespmem:s24+$0x0];
	v21 =	vmul.f32 v23, v21;
	v62 =	vmul.f32 v31, v23;
	v15 =	vsub.f32 $0.0e+00, v15  }
0x9d: {  	v36 =	vld [tilespmem:s23+$0x0];
	v34 =	vsub.f32 $0.0e+00, v61;
	[tilespmem:v6+s17+$0x0] =	vst.idx.msk $0xffff, v16  }
0x9e: {  	v16 =	vmul.f32 v57, v21;
	v35 =	vsub.f32 $0.0e+00, v62;
	[tilespmem:v13+s17+$0x0] =	vst.idx.msk $0xffff, v15  }
0x9f: {  	v37 =	vsub.f32 $0.0e+00, v21;
	v15 =	vmul.f32 v23, v19;
	v19 =	vmul.f32 v27, v21;
	[tilespmem:v10+s17+$0x0] =	vst.idx.msk $0xffff, v34  }
0xa0: {  	v21 =	vmul.f32 v31, v21;
	v16 =	vsub.f32 v30, v16;
	[tilespmem:v14+s17+$0x0] =	vst.idx.msk $0xffff, v35  }
0xa1: {  	v19 =	vsub.f32 v28, v19;
	[tilespmem:v9+s17+$0x0] =	vst.idx.msk $0xffff, v37  }
0xa2: {  	v63 =	vmul.f32 v57, v15;
	v21 =	vsub.f32 v22, v21;
	[tilespmem:v8+s17+$0x0] =	vst.idx.msk $0xffff, v16  }
0xa3: {  	v18 =	vmul.f32 v23, v18;
	v22 =	vsub.f32 $0.0e+00, v15;
	v16 =	vmul.f32 v27, v15;
	[tilespmem:v4+s17+$0x0] =	vst.idx.msk $0xffff, v19  }
0xa4: {  	v15 =	vmul.f32 v31, v15;
	v19 =	vsub.f32 v32, v63;
	[tilespmem:v5+s17+$0x0] =	vst.idx.msk $0xffff, v21  }
0xa5: {  	v16 =	vsub.f32 v20, v16;
	[tilespmem:v12+s17+$0x0] =	vst.idx.msk $0xffff, v22  }
0xa6: {  	v20 =	vmul.f32 v57, v18;
	v21 =	vsub.f32 v54, v15;
	v15 =	vor.u32 $0xE, v6;
	[tilespmem:v11+s17+$0x0] =	vst.idx.msk $0xffff, v19  }
0xa7: {  	v22 =	vsub.f32 $0.0e+00, v18;
	v19 =	vmul.f32 v27, v18;
	[tilespmem:v7+s17+$0x0] =	vst.idx.msk $0xffff, v16;
	v16 =	vor.u32 $0xF, v6  }
0xa8: {  	v18 =	vmul.f32 v31, v18;
	v20 =	vsub.f32 v52, v20;
	[tilespmem:v3+s17+$0x0] =	vst.idx.msk $0xffff, v21  }
0xa9: {  	v19 =	vsub.f32 v24, v19;
	[tilespmem:v2+s17+$0x0] =	vst.idx.msk $0xffff, v22  }
0xaa: {  	v17 =	vsub.f32 v17, v18;
	[tilespmem:v1+s17+$0x0] =	vst.idx.msk $0xffff, v20  }
0xab: {  	[tilespmem:v15+s17+$0x0] =	vst.idx.msk $0xffff, v19  }
0xac: {  	v20 =	vshll.u32 v36, $0x2;
	[tilespmem:v16+s17+$0x0] =	vst.idx.msk $0xffff, v17  }
0xad: {  	v17 =	vshll.u32 v60, $0x2;
	[tilespmem:v6+s18+$0x0] =	vst.idx.msk $0xffff, v20  }
0xae: {  	[tilespmem:v6+s19+$0x0] =	vst.idx.msk $0xffff, v17  }
0xaf: {  	v18 =	vor.u32 $0x1, v17;
	[tilespmem:v13+s18+$0x0] =	vst.idx.msk $0xffff, v20  }
0xb0: {  	[tilespmem:v13+s19+$0x0] =	vst.idx.msk $0xffff, v18  }
0xb1: {  	v19 =	vor.u32 $0x2, v17;
	[tilespmem:v10+s18+$0x0] =	vst.idx.msk $0xffff, v20  }
0xb2: {  	[tilespmem:v10+s19+$0x0] =	vst.idx.msk $0xffff, v19  }
0xb3: {  	v10 =	vor.u32 $0x3, v17;
	[tilespmem:v14+s18+$0x0] =	vst.idx.msk $0xffff, v20  }
0xb4: {  	v6 =	vor.u32 $0x1, v20;
	[tilespmem:v14+s19+$0x0] =	vst.idx.msk $0xffff, v10  }
0xb5: {  	[tilespmem:v9+s18+$0x0] =	vst.idx.msk $0xffff, v6  }
0xb6: {  	[tilespmem:v9+s19+$0x0] =	vst.idx.msk $0xffff, v17  }
0xb7: {  	[tilespmem:v8+s18+$0x0] =	vst.idx.msk $0xffff, v6  }
0xb8: {  	[tilespmem:v8+s19+$0x0] =	vst.idx.msk $0xffff, v18  }
0xb9: {  	[tilespmem:v4+s18+$0x0] =	vst.idx.msk $0xffff, v6  }
0xba: {  	[tilespmem:v4+s19+$0x0] =	vst.idx.msk $0xffff, v19  }
0xbb: {  	[tilespmem:v5+s18+$0x0] =	vst.idx.msk $0xffff, v6  }
0xbc: {  	v4 =	vor.u32 $0x2, v20;
	[tilespmem:v5+s19+$0x0] =	vst.idx.msk $0xffff, v10  }
0xbd: {  	[tilespmem:v12+s18+$0x0] =	vst.idx.msk $0xffff, v4  }
0xbe: {  	[tilespmem:v12+s19+$0x0] =	vst.idx.msk $0xffff, v17  }
0xbf: {  	[tilespmem:v11+s18+$0x0] =	vst.idx.msk $0xffff, v4  }
0xc0: {  	[tilespmem:v11+s19+$0x0] =	vst.idx.msk $0xffff, v18  }
0xc1: {  	s31 =	simm.s32 $0x10;
	[tilespmem:v7+s18+$0x0] =	vst.idx.msk $0xffff, v4  }
0xc2: {  	s28 =	simm.s32 $0x20;
	v5 =	vmov s31;
	[tilespmem:v7+s19+$0x0] =	vst.idx.msk $0xffff, v19  }
.LBB2_3:
0xc3: {  	s23 =	sadd.s32 $0x10, s23  }
0xc4: {  	v5 =	vshll.u32 v5, $0x4;
	s24 =	sadd.s32 $0x10, s24;
	s26 =	smov.u32 s28;
	s25 =	sadd.s32 $0x10, s28  }
0xc5: {  	p0 =	sne.s32 s28, $0x180;
	v6 =	vor.u32 v0, v5;
	[tilespmem:v3+s18+$0x0] =	vst.idx.msk $0xffff, v4  }
0xc6: {  	v4 =	vor.u32 $0x6, v6;
	[tilespmem:v3+s19+$0x0] =	vst.idx.msk $0xffff, v10;
	v3 =	vor.u32 $0x3, v20  }
0xc7: {  	[tilespmem:v2+s18+$0x0] =	vst.idx.msk $0xffff, v3  }
0xc8: {  	v5 =	vor.u32 $0x7, v6;
	[tilespmem:v2+s19+$0x0] =	vst.idx.msk $0xffff, v17  }
0xc9: {  	[tilespmem:v1+s18+$0x0] =	vst.idx.msk $0xffff, v3  }
0xca: {  	[tilespmem:v1+s19+$0x0] =	vst.idx.msk $0xffff, v18  }
0xcb: {  	[tilespmem:v15+s18+$0x0] =	vst.idx.msk $0xffff, v3  }
0xcc: {  	[tilespmem:v15+s19+$0x0] =	vst.idx.msk $0xffff, v19  }
0xcd: {  	[tilespmem:v16+s18+$0x0] =	vst.idx.msk $0xffff, v3  }
0xce: {  	[tilespmem:v16+s19+$0x0] =	vst.idx.msk $0xffff, v10  }
0xcf: {  	v1 =	vld.idx.msk [tilespmem:v4+s13+$0x0], $0xffff  }
0xd0: {  	v2 =	vld.idx.msk [tilespmem:v4+s14+$0x0], $0xffff  }
0xd1: {  	v3 =	vld.idx.msk [tilespmem:v5+s13+$0x0], $0xffff  }
0xd2: {  	v7 =	vld.idx.msk [tilespmem:v5+s14+$0x0], $0xffff;
	_ =	sdelay $0x3  }
0xd3: {  	v1 =	vadd.f32 v2, v1;
	_ =	sdelay $0x1  }
0xd4: {  	v1 =	vmul.f32 $3.906250000e-03, v1;
	v2 =	vadd.f32 v7, v3;
	_ =	sdelay $0x1  }
0xd5: {  	v2 =	vmul.f32 $3.906250000e-03, v2;
	v1 =	vmul.f32 v1, v1;
	_ =	sdelay $0x1  }
0xd6: {  	v1 =	vsub.f32 v2, v1;
	_ =	sdelay $0x1  }
0xd7: {  	v1 =	vadd.f32 $9.999999740e-06, v1;
	_ =	sdelay $0x1  }
0xd8: {  	v2 =	vshra.s32 v1, $0x1;
	v3 =	vmul.f32 $5.000000000e-01, v1  }
0xd9: {  	v2 =	vsub.s32 $0x5F3759DF, v2  }
0xda: {  	v8 =	vmul.f32 v2, v3  }
0xdb: {  	v7 =	vor.u32 $0x9, v6  }
0xdc: {  	v1 =	vor.u32 $0xD, v6;
	v9 =	vmul.f32 v2, v8  }
0xdd: {  	v8 =	vor.u32 $0x3, v6  }
0xde: {  	v10 =	vor.u32 $0x1, v6;
	v9 =	vsub.f32 $1.500000000e+00, v9;
	_ =	sdelay $0x1  }
0xdf: {  	v2 =	vmul.f32 v2, v9;
	v15 =	vld.idx.msk [tilespmem:v7+s14+$0x0], $0xffff  }
0xe0: {  	v13 =	vor.u32 $0x2, v6;
	v9 =	vor.u32 $0x5, v6;
	v16 =	vld.idx.msk [tilespmem:v1+s14+$0x0], $0xffff  }
0xe1: {  	v12 =	vmul.f32 v2, v3;
	v17 =	vld.idx.msk [tilespmem:v8+s14+$0x0], $0xffff  }
0xe2: {  	v18 =	vld.idx.msk [tilespmem:v10+s14+$0x0], $0xffff  }
0xe3: {  	v11 =	vor.u32 $0x4, v6;
	v12 =	vmul.f32 v12, v2;
	v19 =	vld.idx.msk [tilespmem:v6+s14+$0x0], $0xffff  }
0xe4: {  	v20 =	vld.idx.msk [tilespmem:v10+s13+$0x0], $0xffff  }
0xe5: {  	v12 =	vsub.f32 $1.500000000e+00, v12;
	v21 =	vld.idx.msk [tilespmem:v13+s14+$0x0], $0xffff  }
0xe6: {  	v22 =	vld.idx.msk [tilespmem:v9+s13+$0x0], $0xffff  }
0xe7: {  	v24 =	vmul.f32 v12, v2;
	v23 =	vld.idx.msk [tilespmem:v9+s14+$0x0], $0xffff  }
0xe8: {  	v2 =	vor.u32 $0xC, v6;
	v25 =	vld.idx.msk [tilespmem:v11+s14+$0x0], $0xffff  }
0xe9: {  	v14 =	vor.u32 $0x8, v6;
	v27 =	vmul.f32 v24, v3;
	v26 =	vld.idx.msk [tilespmem:v11+s13+$0x0], $0xffff  }
0xea: {  	v3 =	vor.u32 $0xB, v6;
	v18 =	vadd.f32 v18, v20;
	v28 =	vld.idx.msk [tilespmem:v6+s13+$0x0], $0xffff  }
0xeb: {  	v12 =	vor.u32 $0xA, v6;
	v27 =	vmul.f32 v27, v24;
	v20 =	vld.idx.msk [tilespmem:v8+s13+$0x0], $0xffff  }
0xec: {  	v29 =	vld.idx.msk [tilespmem:v13+s13+$0x0], $0xffff  }
0xed: {  	v27 =	vsub.f32 $1.500000000e+00, v27;
	v22 =	vadd.f32 v23, v22;
	v30 =	vld.idx.msk [tilespmem:v2+s14+$0x0], $0xffff  }
0xee: {  	v23 =	vld.idx.msk [tilespmem:v14+s14+$0x0], $0xffff  }
0xef: {  	v24 =	vmul.f32 v27, v24;
	v25 =	vadd.f32 v25, v26;
	v31 =	vld.idx.msk [tilespmem:v3+s14+$0x0], $0xffff  }
0xf0: {  	v19 =	vadd.f32 v19, v28;
	v26 =	vld.idx.msk [tilespmem:v12+s14+$0x0], $0xffff  }
0xf1: {  	v17 =	vadd.f32 v17, v20;
	v20 =	vmul.f32 v24, v25;
	v22 =	vmul.f32 v24, v22  }
0xf2: {  	v18 =	vmul.f32 v24, v18;
	v19 =	vmul.f32 v24, v19;
	v21 =	vadd.f32 v21, v29  }
0xf3: {  	v17 =	vmul.f32 v24, v17;
	v20 =	vadd.f32 v20, v30;
	v16 =	vadd.f32 v22, v16  }
0xf4: {  	v15 =	vadd.f32 v18, v15;
	v19 =	vadd.f32 v19, v23;
	v18 =	vmul.f32 v24, v21  }
0xf5: {  	v17 =	vadd.f32 v17, v31;
	v20 =	vmax.f32 v20, $-2.000000000e+01;
	v16 =	vmax.f32 v16, $-2.000000000e+01  }
0xf6: {  	v18 =	vadd.f32 v18, v26;
	v20 =	vmin.f32 v20, $2.000000000e+01;
	v16 =	vmin.f32 v16, $2.000000000e+01  }
0xf7: {  	v19 =	vmax.f32 v19, $-2.000000000e+01;
	v20 =	vadd.f32 v20, v20;
	v16 =	vadd.f32 v16, v16  }
0xf8: {  	v15 =	vmax.f32 v15, $-2.000000000e+01;
	v19 =	vmin.f32 v19, $2.000000000e+01;
	v18 =	vmax.f32 v18, $-2.000000000e+01  }
0xf9: {  	v18 =	vmin.f32 v18, $2.000000000e+01;
	v20 =	vmul.f32 $1.442695020e+00, v20;
	v16 =	vmul.f32 $1.442695020e+00, v16  }
0xfa: {  	v15 =	vmin.f32 v15, $2.000000000e+01;
	v19 =	vadd.f32 v19, v19;
	v18 =	vadd.f32 v18, v18  }
0xfb: {  	v15 =	vadd.f32 v15, v15;
	v17 =	vmax.f32 v17, $-2.000000000e+01;
	(erf) = vpow2.f32 v16  }
0xfc: {  	v17 =	vmin.f32 v17, $2.000000000e+01;
	v16 =	vmul.f32 $1.442695020e+00, v18;
	(erf) = vpow2.f32 v20  }
0xfd: {  	v15 =	vmul.f32 $1.442695020e+00, v15;
	v17 =	vadd.f32 v17, v17;
	v18 =	vmul.f32 $1.442695020e+00, v19  }
0xfe: {  	(erf) = vpow2.f32 v16  }
0xff: {  	v16 =	vmul.f32 $1.442695020e+00, v17;
	(erf) = vpow2.f32 v18  }
0x100: {  	(erf) = vpow2.f32 v15  }
0x101: {  	(erf) = vpow2.f32 v16;
	_ =	sdelay $0x2  }
0x102: {  	v15 =	vpop (erf)  }
0x103: {  	v15 =	vadd.f32 $1.000000000e+00, v15;
	v16 =	vpop (erf)  }
0x104: {  	v16 =	vadd.f32 $1.000000000e+00, v16  }
0x105: {  	v17 =	vsub.s32 $0x7EF311C3, v15;
	v18 =	vpop (erf)  }
0x106: {  	v18 =	vadd.f32 $1.000000000e+00, v18;
	v19 =	vsub.s32 $0x7EF311C3, v16;
	v20 =	vmul.f32 v17, v15;
	v21 =	vpop (erf)  }
0x107: {  	v21 =	vadd.f32 $1.000000000e+00, v21;
	v22 =	vmul.f32 v19, v16;
	v23 =	vpop (erf)  }
0x108: {  	v23 =	vadd.f32 $1.000000000e+00, v23;
	v24 =	vsub.s32 $0x7EF311C3, v18;
	v20 =	vsub.f32 $2.000000000e+00, v20;
	v25 =	vpop (erf)  }
0x109: {  	v26 =	vsub.s32 $0x7EF311C3, v21;
	v27 =	vmul.f32 v24, v18;
	v22 =	vsub.f32 $2.000000000e+00, v22  }
0x10a: {  	v28 =	vmul.f32 v26, v21;
	v29 =	vsub.s32 $0x7EF311C3, v23;
	v17 =	vmul.f32 v17, v20  }
0x10b: {  	v20 =	vmul.f32 v29, v23;
	v27 =	vsub.f32 $2.000000000e+00, v27;
	v19 =	vmul.f32 v19, v22  }
0x10c: {  	v25 =	vadd.f32 $1.000000000e+00, v25;
	v22 =	vsub.f32 $2.000000000e+00, v28;
	v28 =	vmul.f32 v17, v15  }
0x10d: {  	v20 =	vsub.f32 $2.000000000e+00, v20;
	v24 =	vmul.f32 v24, v27;
	v27 =	vmul.f32 v19, v16  }
0x10e: {  	v22 =	vmul.f32 v26, v22;
	v26 =	vsub.s32 $0x7EF311C3, v25;
	v28 =	vsub.f32 $2.000000000e+00, v28  }
0x10f: {  	v20 =	vmul.f32 v29, v20;
	v29 =	vmul.f32 v24, v18;
	v27 =	vsub.f32 $2.000000000e+00, v27  }
0x110: {  	v30 =	vmul.f32 v22, v21;
	v17 =	vmul.f32 v28, v17  }
0x111: {  	v28 =	vmul.f32 v20, v23;
	v29 =	vsub.f32 $2.000000000e+00, v29;
	v19 =	vmul.f32 v27, v19  }
0x112: {  	v27 =	vsub.f32 $2.000000000e+00, v30;
	v30 =	vmul.f32 v26, v25;
	v15 =	vmul.f32 v17, v15  }
0x113: {  	v28 =	vsub.f32 $2.000000000e+00, v28;
	v24 =	vmul.f32 v29, v24;
	v16 =	vmul.f32 v19, v16  }
0x114: {  	v22 =	vmul.f32 v27, v22;
	v27 =	vsub.f32 $2.000000000e+00, v30;
	v15 =	vsub.f32 $2.000000000e+00, v15  }
0x115: {  	v20 =	vmul.f32 v28, v20;
	v18 =	vmul.f32 v24, v18;
	v16 =	vsub.f32 $2.000000000e+00, v16  }
0x116: {  	v21 =	vmul.f32 v22, v21;
	v15 =	vmul.f32 v15, v17  }
0x117: {  	v17 =	vmul.f32 v20, v23;
	v18 =	vsub.f32 $2.000000000e+00, v18;
	v16 =	vmul.f32 v16, v19  }
0x118: {  	v19 =	vsub.f32 $2.000000000e+00, v21;
	v21 =	vmul.f32 v26, v27;
	v15 =	vadd.f32 v15, v15  }
0x119: {  	v17 =	vsub.f32 $2.000000000e+00, v17;
	v18 =	vmul.f32 v18, v24;
	v16 =	vadd.f32 v16, v16  }
0x11a: {  	v19 =	vmul.f32 v19, v22;
	v22 =	vmul.f32 v21, v25;
	v15 =	vsub.f32 $1.000000000e+00, v15  }
0x11b: {  	v17 =	vmul.f32 v17, v20;
	v18 =	vadd.f32 v18, v18  }
0x11c: {  	v19 =	vadd.f32 v19, v19;
	v20 =	vsub.f32 $2.000000000e+00, v22;
	v22 =	vmul.f32 v15, v15  }
0x11d: {  	v17 =	vadd.f32 v17, v17;
	v18 =	vsub.f32 $1.000000000e+00, v18  }
0x11e: {  	v20 =	vmul.f32 v20, v21;
	v21 =	vadd.f32 $1.000000000e+00, v22  }
0x11f: {  	v16 =	vsub.f32 $1.000000000e+00, v16;
	v22 =	vmul.f32 v18, v18  }
0x120: {  	v23 =	vmul.f32 v20, v25;
	v24 =	vsub.s32 $0x7EF311C3, v21  }
0x121: {  	v25 =	vmul.f32 v16, v16;
	v22 =	vadd.f32 $1.000000000e+00, v22;
	v26 =	vmul.f32 v24, v21  }
0x122: {  	v23 =	vsub.f32 $2.000000000e+00, v23  }
0x123: {  	v22 =	vadd.f32 v22, v25;
	v25 =	vsub.f32 $2.000000000e+00, v26  }
0x124: {  	v20 =	vmul.f32 v23, v20  }
0x125: {  	v19 =	vsub.f32 $1.000000000e+00, v19;
	v23 =	vsub.s32 $0x7EF311C3, v22;
	v24 =	vmul.f32 v24, v25  }
0x126: {  	v20 =	vadd.f32 v20, v20;
	v25 =	vmul.f32 v23, v22  }
0x127: {  	v17 =	vsub.f32 $1.000000000e+00, v17;
	v26 =	vmul.f32 v19, v19;
	v27 =	vmul.f32 v24, v21  }
0x128: {  	v20 =	vsub.f32 $1.000000000e+00, v20;
	v25 =	vsub.f32 $2.000000000e+00, v25  }
0x129: {  	v28 =	vmul.f32 v17, v17;
	v26 =	vadd.f32 $1.000000000e+00, v26;
	v27 =	vsub.f32 $2.000000000e+00, v27  }
0x12a: {  	v23 =	vmul.f32 v23, v25  }
0x12b: {  	v25 =	vadd.f32 v26, v28;
	v26 =	vmul.f32 v20, v20;
	v24 =	vmul.f32 v27, v24  }
0x12c: {  	v27 =	vmul.f32 v23, v22  }
0x12d: {  	v25 =	vadd.f32 v25, v26;
	v21 =	vmul.f32 v24, v21  }
0x12e: {  	v26 =	vsub.f32 $2.000000000e+00, v27  }
0x12f: {  	v27 =	vsub.s32 $0x7EF311C3, v25;
	v21 =	vsub.f32 $2.000000000e+00, v21  }
0x130: {  	v28 =	vmul.f32 v27, v25;
	v23 =	vmul.f32 v26, v23  }
0x131: {  	v21 =	vmul.f32 v21, v24  }
0x132: {  	v24 =	vsub.f32 $2.000000000e+00, v28;
	v22 =	vmul.f32 v23, v22  }
0x133: {  	v21 =	vadd.f32 v21, v21  }
0x134: {  	v24 =	vmul.f32 v27, v24;
	v22 =	vsub.f32 $2.000000000e+00, v22  }
0x135: {  	v26 =	vsub.f32 $1.000000000e+00, v21;
	v21 =	vmul.f32 v21, v15  }
0x136: {  	v27 =	vmul.f32 v24, v25;
	v22 =	vmul.f32 v22, v23  }
0x137: {  	v23 =	vsub.f32 $0.0e+00, v21;
	v15 =	vmul.f32 v21, v15;
	v28 =	vmul.f32 v26, v18  }
0x138: {  	v27 =	vsub.f32 $2.000000000e+00, v27;
	v22 =	vadd.f32 v22, v22  }
0x139: {  	v21 =	vadd.f32 $0.0e+00, v21;
	v15 =	vadd.f32 $-1.000000000e+00, v15;
	v29 =	vmul.f32 v23, v16  }
0x13a: {  	v30 =	vsub.f32 $1.000000000e+00, v22;
	v31 =	vmul.f32 v22, v18;
	v32 =	vmul.f32 v22, v16  }
0x13b: {  	v18 =	vmul.f32 v21, v18;
	v28 =	vadd.f32 v29, v28;
	v16 =	vmul.f32 v15, v16  }
0x13c: {  	v29 =	vsub.f32 $0.0e+00, v31;
	v33 =	vsub.f32 $0.0e+00, v32;
	v34 =	vmul.f32 v30, v19  }
0x13d: {  	v16 =	vadd.f32 v16, v18;
	v18 =	vmul.f32 v28, v22;
	v35 =	vmul.f32 v28, v31  }
0x13e: {  	v24 =	vmul.f32 v27, v24;
	v27 =	vmul.f32 v29, v17  }
0x13f: {  	v18 =	vsub.f32 $0.0e+00, v18;
	v22 =	vmul.f32 v16, v22;
	v31 =	vmul.f32 v16, v31  }
0x140: {  	v16 =	vmul.f32 v16, v32;
	v27 =	vadd.f32 v27, v34;
	v34 =	vmul.f32 v33, v20  }
0x141: {  	v22 =	vsub.f32 $0.0e+00, v22;
	v21 =	vsub.f32 v21, v31;
	v31 =	vmul.f32 v18, v19  }
0x142: {  	v28 =	vmul.f32 v28, v32;
	v15 =	vsub.f32 v15, v16;
	v16 =	vadd.f32 v27, v34  }
0x143: {  	v25 =	vmul.f32 v24, v25;
	v26 =	vsub.f32 v26, v35;
	v27 =	vmul.f32 v22, v19  }
0x144: {  	v23 =	vsub.f32 v23, v28;
	v28 =	vmul.f32 v21, v17  }
0x145: {  	v25 =	vsub.f32 $2.000000000e+00, v25  }
0x146: {  	v32 =	vmul.f32 v26, v17;
	v27 =	vadd.f32 v28, v27  }
0x147: {  	v24 =	vmul.f32 v25, v24;
	v25 =	vmul.f32 v15, v20  }
0x148: {  	v28 =	vadd.f32 v32, v31;
	v31 =	vmul.f32 v23, v20  }
0x149: {  	v24 =	vadd.f32 v24, v24;
	v25 =	vadd.f32 v27, v25  }
0x14a: {  	v27 =	vadd.f32 v28, v31  }
0x14b: {  	v28 =	vsub.f32 $1.000000000e+00, v24;
	v31 =	vmul.f32 v16, v24;
	v32 =	vmul.f32 v25, v24  }
0x14c: {  	v19 =	vmul.f32 v24, v19;
	v35 =	vmul.f32 v27, v24;
	v34 =	vld [tilespmem:s24+$0x0]  }
0x14d: {  	v17 =	vmul.f32 v24, v17;
	v20 =	vmul.f32 v24, v20;
	v31 =	vsub.f32 $0.0e+00, v31;
	v36 =	vld [tilespmem:s23+$0x0]  }
0x14e: {  	v37 =	vmul.f32 v27, v19;
	v24 =	vsub.f32 $0.0e+00, v35;
	v35 =	vmul.f32 v16, v19;
	[tilespmem:v6+s17+$0x0] =	vst.idx.msk $0xffff, v28  }
0x14f: {  	v38 =	vmul.f32 v27, v17;
	v28 =	vsub.f32 $0.0e+00, v32;
	v32 =	vmul.f32 v25, v19;
	[tilespmem:v10+s17+$0x0] =	vst.idx.msk $0xffff, v31  }
0x150: {  	v30 =	vsub.f32 v30, v35;
	v19 =	vsub.f32 $0.0e+00, v19;
	v31 =	vmul.f32 v16, v17;
	[tilespmem:v13+s17+$0x0] =	vst.idx.msk $0xffff, v24  }
0x151: {  	v18 =	vsub.f32 v18, v37;
	v22 =	vsub.f32 v22, v32;
	[tilespmem:v8+s17+$0x0] =	vst.idx.msk $0xffff, v28  }
0x152: {  	v26 =	vsub.f32 v26, v38;
	v24 =	vsub.f32 v29, v31;
	[tilespmem:v11+s17+$0x0] =	vst.idx.msk $0xffff, v19  }
0x153: {  	v27 =	vmul.f32 v27, v20;
	v19 =	vmul.f32 v25, v17;
	[tilespmem:v9+s17+$0x0] =	vst.idx.msk $0xffff, v30  }
0x154: {  	v28 =	vmul.f32 v16, v20;
	v16 =	vmul.f32 v25, v20;
	v17 =	vsub.f32 $0.0e+00, v17;
	[tilespmem:v4+s17+$0x0] =	vst.idx.msk $0xffff, v18  }
0x155: {  	v18 =	vsub.f32 v21, v19;
	v19 =	vsub.f32 v23, v27;
	[tilespmem:v5+s17+$0x0] =	vst.idx.msk $0xffff, v22  }
0x156: {  	v21 =	vsub.f32 v15, v16;
	[tilespmem:v14+s17+$0x0] =	vst.idx.msk $0xffff, v17  }
0x157: {  	v15 =	vor.u32 $0xE, v6;
	[tilespmem:v7+s17+$0x0] =	vst.idx.msk $0xffff, v24  }
0x158: {  	v16 =	vor.u32 $0xF, v6;
	v17 =	vsub.f32 $0.0e+00, v20;
	[tilespmem:v12+s17+$0x0] =	vst.idx.msk $0xffff, v26  }
0x159: {  	v20 =	vsub.f32 v33, v28;
	[tilespmem:v3+s17+$0x0] =	vst.idx.msk $0xffff, v18  }
0x15a: {  	[tilespmem:v2+s17+$0x0] =	vst.idx.msk $0xffff, v17  }
0x15b: {  	[tilespmem:v1+s17+$0x0] =	vst.idx.msk $0xffff, v20  }
0x15c: {  	[tilespmem:v15+s17+$0x0] =	vst.idx.msk $0xffff, v19  }
0x15d: {  	v20 =	vshll.u32 v36, $0x2;
	[tilespmem:v16+s17+$0x0] =	vst.idx.msk $0xffff, v21  }
0x15e: {  	v17 =	vshll.u32 v34, $0x2;
	[tilespmem:v6+s18+$0x0] =	vst.idx.msk $0xffff, v20  }
0x15f: {  	[tilespmem:v6+s19+$0x0] =	vst.idx.msk $0xffff, v17  }
0x160: {  	v18 =	vor.u32 $0x1, v17;
	[tilespmem:v10+s18+$0x0] =	vst.idx.msk $0xffff, v20  }
0x161: {  	[tilespmem:v10+s19+$0x0] =	vst.idx.msk $0xffff, v18  }
0x162: {  	v19 =	vor.u32 $0x2, v17;
	[tilespmem:v13+s18+$0x0] =	vst.idx.msk $0xffff, v20  }
0x163: {  	[tilespmem:v13+s19+$0x0] =	vst.idx.msk $0xffff, v19  }
0x164: {  	v10 =	vor.u32 $0x3, v17;
	[tilespmem:v8+s18+$0x0] =	vst.idx.msk $0xffff, v20  }
0x165: {  	v6 =	vor.u32 $0x1, v20;
	[tilespmem:v8+s19+$0x0] =	vst.idx.msk $0xffff, v10  }
0x166: {  	[tilespmem:v11+s18+$0x0] =	vst.idx.msk $0xffff, v6  }
0x167: {  	[tilespmem:v11+s19+$0x0] =	vst.idx.msk $0xffff, v17  }
0x168: {  	[tilespmem:v9+s18+$0x0] =	vst.idx.msk $0xffff, v6  }
0x169: {  	[tilespmem:v9+s19+$0x0] =	vst.idx.msk $0xffff, v18  }
0x16a: {  	[tilespmem:v4+s18+$0x0] =	vst.idx.msk $0xffff, v6  }
0x16b: {  	[tilespmem:v4+s19+$0x0] =	vst.idx.msk $0xffff, v19  }
0x16c: {  	[tilespmem:v5+s18+$0x0] =	vst.idx.msk $0xffff, v6  }
0x16d: {  	v4 =	vor.u32 $0x2, v20;
	[tilespmem:v5+s19+$0x0] =	vst.idx.msk $0xffff, v10  }
0x16e: {  	[tilespmem:v14+s18+$0x0] =	vst.idx.msk $0xffff, v4  }
.Ltmp0:
0x16f: {  	[tilespmem:v14+s19+$0x0] =	vst.idx.msk $0xffff, v17;
	(pc) =	sbr.rel @p0 .LBB2_3-.Ltmp0, $4  }
0x170: {  	[tilespmem:v7+s18+$0x0] =	vst.idx.msk $0xffff, v4  }
0x171: {  	[tilespmem:v7+s19+$0x0] =	vst.idx.msk $0xffff, v18  }
0x172: {  	[tilespmem:v12+s18+$0x0] =	vst.idx.msk $0xffff, v4  }
0x173: {  	s28 =	smov.u32 s25;
	v5 =	vmov s26;
	[tilespmem:v12+s19+$0x0] =	vst.idx.msk $0xffff, v19  }
0x174: {  	_ =	sdelay $0x3  }
0x175: {  	[tilespmem:v3+s18+$0x0] =	vst.idx.msk $0xffff, v4  }
0x176: {  	v23 =	vor.u32 $0x3, v20;
	[tilespmem:v3+s19+$0x0] =	vst.idx.msk $0xffff, v10  }
0x177: {  	[tilespmem:v2+s18+$0x0] =	vst.idx.msk $0xffff, v23  }
0x178: {  	v3 =	vshll.u32 v5, $0x4;
	[tilespmem:v2+s19+$0x0] =	vst.idx.msk $0xffff, v17  }
0x179: {  	v3 =	vor.u32 v0, v3;
	[tilespmem:v1+s18+$0x0] =	vst.idx.msk $0xffff, v23  }
0x17a: {  	v2 =	vor.u32 $0x6, v3;
	[tilespmem:v1+s19+$0x0] =	vst.idx.msk $0xffff, v18  }
0x17b: {  	[tilespmem:v15+s18+$0x0] =	vst.idx.msk $0xffff, v23  }
0x17c: {  	v1 =	vor.u32 $0x7, v3;
	[tilespmem:v15+s19+$0x0] =	vst.idx.msk $0xffff, v19  }
0x17d: {  	[tilespmem:v16+s18+$0x0] =	vst.idx.msk $0xffff, v23  }
0x17e: {  	[tilespmem:v16+s19+$0x0] =	vst.idx.msk $0xffff, v10  }
0x17f: {  	v4 =	vld.idx.msk [tilespmem:v2+s13+$0x0], $0xffff  }
0x180: {  	v24 =	vld.idx.msk [tilespmem:v2+s14+$0x0], $0xffff  }
0x181: {  	v6 =	vld.idx.msk [tilespmem:v1+s13+$0x0], $0xffff  }
0x182: {  	v7 =	vld.idx.msk [tilespmem:v1+s14+$0x0], $0xffff;
	_ =	sdelay $0x2  }
0x183: {  	v4 =	vadd.f32 v24, v4;
	_ =	sdelay $0x1  }
0x184: {  	v25 =	vadd.f32 v7, v6;
	v4 =	vmul.f32 $3.906250000e-03, v4;
	_ =	sdelay $0x1  }
0x185: {  	v5 =	vmul.f32 $3.906250000e-03, v25;
	v4 =	vmul.f32 v4, v4;
	_ =	sdelay $0x1  }
0x186: {  	v4 =	vsub.f32 v5, v4;
	_ =	sdelay $0x1  }
0x187: {  	v4 =	vadd.f32 $9.999999740e-06, v4;
	_ =	sdelay $0x1  }
0x188: {  	v26 =	vshra.s32 v4, $0x1;
	v27 =	vmul.f32 $5.000000000e-01, v4  }
0x189: {  	v28 =	vsub.s32 $0x5F3759DF, v26  }
0x18a: {  	v5 =	vmul.f32 v28, v27;
	_ =	sdelay $0x1  }
0x18b: {  	v5 =	vmul.f32 v28, v5;
	_ =	sdelay $0x1  }
0x18c: {  	v5 =	vsub.f32 $1.500000000e+00, v5;
	_ =	sdelay $0x1  }
0x18d: {  	v4 =	vmul.f32 v28, v5;
	_ =	sdelay $0x1  }
0x18e: {  	v9 =	vor.u32 $0x2, v3;
	v5 =	vmul.f32 v4, v27  }
0x18f: {  	v8 =	vor.u32 $0x4, v3  }
0x190: {  	v5 =	vmul.f32 v5, v4  }
0x191: {  	v6 =	vor.u32 $0x5, v3  }
0x192: {  	v5 =	vsub.f32 $1.500000000e+00, v5  }
0x193: {  	v11 =	vld.idx.msk [tilespmem:v9+s14+$0x0], $0xffff  }
0x194: {  	v15 =	vld.idx.msk [tilespmem:v8+s14+$0x0], $0xffff;
	v29 =	vmul.f32 v5, v4  }
0x195: {  	v16 =	vld.idx.msk [tilespmem:v8+s13+$0x0], $0xffff  }
0x196: {  	v13 =	vld.idx.msk [tilespmem:v6+s13+$0x0], $0xffff;
	v4 =	vor.u32 $0xD, v3;
	v7 =	vmul.f32 v29, v27  }
0x197: {  	v14 =	vld.idx.msk [tilespmem:v6+s14+$0x0], $0xffff;
	v5 =	vor.u32 $0xC, v3  }
0x198: {  	v17 =	vld.idx.msk [tilespmem:v9+s13+$0x0], $0xffff;
	v12 =	vmul.f32 v7, v29  }
0x199: {  	v7 =	vor.u32 $0xA, v3  }
0x19a: {  	v30 =	vsub.f32 $1.500000000e+00, v12  }
0x19b: {  	v19 =	vld.idx.msk [tilespmem:v4+s14+$0x0], $0xffff;
	v12 =	vor.u32 $0x1, v3  }
0x19c: {  	v13 =	vadd.f32 v14, v13;
	v31 =	vld.idx.msk [tilespmem:v5+s14+$0x0], $0xffff;
	v18 =	vmul.f32 v30, v29  }
0x19d: {  	v21 =	vld.idx.msk [tilespmem:v3+s14+$0x0], $0xffff;
	v15 =	vadd.f32 v15, v16;
	v11 =	vadd.f32 v11, v17  }
0x19e: {  	v32 =	vld.idx.msk [tilespmem:v7+s14+$0x0], $0xffff;
	v13 =	vmul.f32 v18, v13  }
0x19f: {  	v37 =	vld.idx.msk [tilespmem:v3+s13+$0x0], $0xffff;
	v15 =	vmul.f32 v18, v15;
	v35 =	vmul.f32 v18, v11;
	v11 =	vor.u32 $0x8, v3  }
0x1a0: {  	v10 =	vor.u32 $0x9, v3;
	v34 =	vld.idx.msk [tilespmem:v12+s14+$0x0], $0xffff;
	v33 =	vadd.f32 v13, v19  }
0x1a1: {  	v38 =	vld.idx.msk [tilespmem:v12+s13+$0x0], $0xffff;
	v13 =	vor.u32 $0x3, v3;
	v14 =	vadd.f32 v15, v31  }
0x1a2: {  	v36 =	vmax.f32 v33, $-2.000000000e+01  }
0x1a3: {  	v16 =	vadd.f32 v35, v32;
	v14 =	vmax.f32 v14, $-2.000000000e+01;
	v15 =	vmin.f32 v36, $2.000000000e+01  }
0x1a4: {  	v17 =	vadd.f32 v21, v37;
	v14 =	vmin.f32 v14, $2.000000000e+01;
	v25 =	vld.idx.msk [tilespmem:v11+s14+$0x0], $0xffff;
	v15 =	vadd.f32 v15, v15  }
0x1a5: {  	v22 =	vld.idx.msk [tilespmem:v10+s14+$0x0], $0xffff;
	v16 =	vmax.f32 v16, $-2.000000000e+01;
	v24 =	vadd.f32 v14, v14;
	v14 =	vor.u32 $0xB, v3  }
0x1a6: {  	v40 =	vadd.f32 v34, v38;
	v23 =	vld.idx.msk [tilespmem:v13+s14+$0x0], $0xffff;
	v16 =	vmin.f32 v16, $2.000000000e+01;
	v15 =	vmul.f32 $1.442695020e+00, v15  }
0x1a7: {  	v17 =	vmul.f32 v18, v17;
	v26 =	vld.idx.msk [tilespmem:v13+s13+$0x0], $0xffff;
	v16 =	vadd.f32 v16, v16;
	v39 =	vmul.f32 $1.442695020e+00, v24  }
0x1a8: {  	(erf) = vpow2.f32 v15;
	v15 =	vmul.f32 v18, v40  }
0x1a9: {  	v16 =	vmul.f32 $1.442695020e+00, v16;
	v17 =	vadd.f32 v17, v25;
	(erf) = vpow2.f32 v39  }
0x1aa: {  	v15 =	vadd.f32 v15, v22  }
0x1ab: {  	v41 =	vld.idx.msk [tilespmem:v14+s14+$0x0], $0xffff;
	(erf) = vpow2.f32 v16;
	v17 =	vmax.f32 v17, $-2.000000000e+01  }
0x1ac: {  	v42 =	vadd.f32 v23, v26;
	v17 =	vmin.f32 v17, $2.000000000e+01;
	v15 =	vmax.f32 v15, $-2.000000000e+01  }
0x1ad: {  	v17 =	vadd.f32 v17, v17;
	v15 =	vmin.f32 v15, $2.000000000e+01  }
0x1ae: {  	v18 =	vmul.f32 v18, v42;
	v15 =	vadd.f32 v15, v15  }
0x1af: {  	v17 =	vmul.f32 $1.442695020e+00, v17  }
0x1b0: {  	v16 =	vadd.f32 v18, v41;
	v15 =	vmul.f32 $1.442695020e+00, v15  }
0x1b1: {  	v43 =	vpop (erf);
	(erf) = vpow2.f32 v17  }
0x1b2: {  	v16 =	vmax.f32 v16, $-2.000000000e+01;
	v18 =	vadd.f32 $1.000000000e+00, v43;
	v44 =	vpop (erf);
	(erf) = vpow2.f32 v15  }
0x1b3: {  	v16 =	vmin.f32 v16, $2.000000000e+01  }
0x1b4: {  	v16 =	vadd.f32 v16, v16;
	v46 =	vpop (erf);
	v19 =	vadd.f32 $1.000000000e+00, v44;
	v45 =	vsub.s32 $0x7EF311C3, v18  }
0x1b5: {  	v47 =	vadd.f32 $1.000000000e+00, v46;
	v48 =	vmul.f32 v45, v18  }
0x1b6: {  	v16 =	vmul.f32 $1.442695020e+00, v16;
	v51 =	vsub.s32 $0x7EF311C3, v19  }
0x1b7: {  	v49 =	vsub.s32 $0x7EF311C3, v47;
	v52 =	vmul.f32 v51, v19;
	v20 =	vsub.f32 $2.000000000e+00, v48  }
0x1b8: {  	(erf) = vpow2.f32 v16;
	v50 =	vmul.f32 v49, v47  }
0x1b9: {  	v16 =	vsub.f32 $2.000000000e+00, v52;
	v17 =	vmul.f32 v45, v20  }
0x1ba: {  	v53 =	vsub.f32 $2.000000000e+00, v50;
	v55 =	vpop (erf)  }
0x1bb: {  	v16 =	vmul.f32 v51, v16;
	v54 =	vmul.f32 v17, v18;
	v21 =	vadd.f32 $1.000000000e+00, v55;
	v56 =	vpop (erf)  }
0x1bc: {  	v20 =	vmul.f32 v49, v53;
	v24 =	vadd.f32 $1.000000000e+00, v56  }
0x1bd: {  	v59 =	vmul.f32 v16, v19;
	v22 =	vsub.f32 $2.000000000e+00, v54;
	v58 =	vsub.s32 $0x7EF311C3, v21  }
0x1be: {  	v57 =	vmul.f32 v20, v47;
	v60 =	vmul.f32 v58, v21  }
0x1bf: {  	v27 =	vsub.s32 $0x7EF311C3, v24;
	v25 =	vsub.f32 $2.000000000e+00, v59;
	v17 =	vmul.f32 v22, v17  }
0x1c0: {  	v23 =	vsub.f32 $2.000000000e+00, v57;
	v28 =	vmul.f32 v27, v24  }
0x1c1: {  	v61 =	vpop (erf);
	v26 =	vsub.f32 $2.000000000e+00, v60;
	v16 =	vmul.f32 v25, v16;
	v18 =	vmul.f32 v17, v18  }
0x1c2: {  	v20 =	vmul.f32 v23, v20;
	v23 =	vadd.f32 $1.000000000e+00, v61;
	v62 =	vsub.f32 $2.000000000e+00, v28  }
0x1c3: {  	v22 =	vmul.f32 v58, v26;
	v19 =	vmul.f32 v16, v19;
	v18 =	vsub.f32 $2.000000000e+00, v18  }
0x1c4: {  	v15 =	vmul.f32 v20, v47;
	v63 =	vsub.s32 $0x7EF311C3, v23;
	v25 =	vmul.f32 v27, v62  }
0x1c5: {  	v30 =	vmul.f32 v63, v23;
	v19 =	vsub.f32 $2.000000000e+00, v19;
	v17 =	vmul.f32 v18, v17  }
0x1c6: {  	v31 =	vmul.f32 v22, v21;
	v15 =	vsub.f32 $2.000000000e+00, v15;
	v32 =	vmul.f32 v25, v24  }
0x1c7: {  	v26 =	vsub.f32 $2.000000000e+00, v30;
	v16 =	vmul.f32 v19, v16;
	v17 =	vadd.f32 v17, v17  }
0x1c8: {  	v27 =	vsub.f32 $2.000000000e+00, v31;
	v15 =	vmul.f32 v15, v20;
	v33 =	vsub.f32 $2.000000000e+00, v32  }
0x1c9: {  	v18 =	vmul.f32 v63, v26;
	v16 =	vadd.f32 v16, v16;
	v17 =	vsub.f32 $1.000000000e+00, v17  }
0x1ca: {  	v22 =	vmul.f32 v27, v22;
	v15 =	vadd.f32 v15, v15;
	v19 =	vmul.f32 v33, v25  }
0x1cb: {  	v26 =	vmul.f32 v18, v23;
	v34 =	vmul.f32 v17, v17  }
0x1cc: {  	v16 =	vsub.f32 $1.000000000e+00, v16;
	v21 =	vmul.f32 v22, v21;
	v15 =	vsub.f32 $1.000000000e+00, v15  }
0x1cd: {  	v24 =	vmul.f32 v19, v24;
	v26 =	vsub.f32 $2.000000000e+00, v26;
	v20 =	vadd.f32 $1.000000000e+00, v34  }
0x1ce: {  	v37 =	vmul.f32 v16, v16;
	v35 =	vmul.f32 v15, v15  }
0x1cf: {  	v21 =	vsub.f32 $2.000000000e+00, v21;
	v18 =	vmul.f32 v26, v18;
	v36 =	vsub.s32 $0x7EF311C3, v20  }
0x1d0: {  	v24 =	vsub.f32 $2.000000000e+00, v24;
	v25 =	vadd.f32 $1.000000000e+00, v35;
	v29 =	vmul.f32 v36, v20  }
0x1d1: {  	v21 =	vmul.f32 v21, v22;
	v23 =	vmul.f32 v18, v23  }
0x1d2: {  	v19 =	vmul.f32 v24, v19;
	v25 =	vadd.f32 v25, v37;
	v38 =	vsub.f32 $2.000000000e+00, v29  }
0x1d3: {  	v21 =	vadd.f32 v21, v21;
	v23 =	vsub.f32 $2.000000000e+00, v23  }
0x1d4: {  	v19 =	vadd.f32 v19, v19;
	v39 =	vsub.s32 $0x7EF311C3, v25;
	v26 =	vmul.f32 v36, v38  }
0x1d5: {  	v21 =	vsub.f32 $1.000000000e+00, v21;
	v40 =	vmul.f32 v39, v25;
	v18 =	vmul.f32 v23, v18  }
0x1d6: {  	v19 =	vsub.f32 $1.000000000e+00, v19;
	v27 =	vmul.f32 v26, v20  }
0x1d7: {  	v43 =	vmul.f32 v21, v21;
	v41 =	vsub.f32 $2.000000000e+00, v40;
	v18 =	vadd.f32 v18, v18  }
0x1d8: {  	v45 =	vmul.f32 v19, v19;
	v42 =	vsub.f32 $2.000000000e+00, v27  }
0x1d9: {  	v23 =	vadd.f32 $1.000000000e+00, v43;
	v22 =	vmul.f32 v39, v41;
	v18 =	vsub.f32 $1.000000000e+00, v18  }
0x1da: {  	v24 =	vmul.f32 v42, v26  }
0x1db: {  	v23 =	vadd.f32 v23, v45;
	v44 =	vmul.f32 v22, v25;
	v46 =	vmul.f32 v18, v18  }
0x1dc: {  	v20 =	vmul.f32 v24, v20  }
0x1dd: {  	v26 =	vsub.f32 $2.000000000e+00, v44;
	v23 =	vadd.f32 v23, v46  }
0x1de: {  	v20 =	vsub.f32 $2.000000000e+00, v20  }
0x1df: {  	v22 =	vmul.f32 v26, v22;
	v48 =	vsub.s32 $0x7EF311C3, v23  }
0x1e0: {  	v49 =	vmul.f32 v48, v23;
	v20 =	vmul.f32 v20, v24  }
0x1e1: {  	v47 =	vmul.f32 v22, v25  }
0x1e2: {  	v26 =	vsub.f32 $2.000000000e+00, v49;
	v20 =	vadd.f32 v20, v20  }
0x1e3: {  	v24 =	vsub.f32 $2.000000000e+00, v47  }
0x1e4: {  	v25 =	vmul.f32 v48, v26;
	v50 =	vmul.f32 v20, v17  }
0x1e5: {  	v20 =	vsub.f32 $1.000000000e+00, v20;
	v22 =	vmul.f32 v24, v22  }
0x1e6: {  	v54 =	vmul.f32 v25, v23;
	v51 =	vsub.f32 $0.0e+00, v50;
	v17 =	vmul.f32 v50, v17  }
0x1e7: {  	v52 =	vmul.f32 v20, v15;
	v22 =	vadd.f32 v22, v22;
	v27 =	vadd.f32 $0.0e+00, v50  }
0x1e8: {  	v29 =	vsub.f32 $2.000000000e+00, v54;
	v17 =	vadd.f32 $-1.000000000e+00, v17;
	v53 =	vmul.f32 v51, v16  }
0x1e9: {  	v30 =	vsub.f32 $1.000000000e+00, v22;
	v31 =	vmul.f32 v22, v15;
	v15 =	vmul.f32 v27, v15  }
0x1ea: {  	v25 =	vmul.f32 v29, v25;
	v26 =	vadd.f32 v53, v52;
	v55 =	vmul.f32 v17, v16  }
0x1eb: {  	v16 =	vmul.f32 v22, v16;
	v32 =	vsub.f32 $0.0e+00, v31;
	v33 =	vmul.f32 v30, v21  }
0x1ec: {  	v23 =	vmul.f32 v25, v23;
	v15 =	vadd.f32 v55, v15;
	v56 =	vmul.f32 v26, v22  }
0x1ed: {  	v34 =	vmul.f32 v26, v31;
	v29 =	vsub.f32 $0.0e+00, v16;
	v35 =	vmul.f32 v32, v19  }
0x1ee: {  	v23 =	vsub.f32 $2.000000000e+00, v23;
	v22 =	vmul.f32 v15, v22;
	v28 =	vsub.f32 $0.0e+00, v56  }
0x1ef: {  	v31 =	vmul.f32 v15, v31;
	v15 =	vmul.f32 v15, v16;
	v33 =	vadd.f32 v35, v33  }
0x1f0: {  	v57 =	vmul.f32 v29, v18;
	v16 =	vmul.f32 v26, v16;
	v20 =	vsub.f32 v20, v34  }
0x1f1: {  	v23 =	vmul.f32 v23, v25;
	v22 =	vsub.f32 $0.0e+00, v22;
	v58 =	vsub.f32 v27, v31  }
0x1f2: {  	v59 =	vmul.f32 v28, v21;
	v16 =	vsub.f32 v51, v16;
	v61 =	vmul.f32 v20, v19  }
0x1f3: {  	v15 =	vsub.f32 v17, v15;
	v60 =	vmul.f32 v22, v21;
	v62 =	vmul.f32 v58, v19  }
0x1f4: {  	v63 =	vadd.f32 v33, v57;
	v24 =	vadd.f32 v61, v59;
	v40 =	vmul.f32 v16, v18  }
0x1f5: {  	v23 =	vadd.f32 v23, v23;
	v41 =	vmul.f32 v15, v18;
	v17 =	vadd.f32 v62, v60  }
0x1f6: {  	v24 =	vadd.f32 v24, v40  }
0x1f7: {  	v42 =	vmul.f32 v63, v23;
	v17 =	vadd.f32 v17, v41  }
0x1f8: {  	s23 =	sadd.s32 $0x10, s23;
	v43 =	vsub.f32 $1.000000000e+00, v23;
	v45 =	vmul.f32 v24, v23  }
0x1f9: {  	s24 =	sadd.s32 $0x10, s24;
	v36 =	vld [tilespmem:s23+$0x0];
	v21 =	vmul.f32 v23, v21;
	v27 =	vsub.f32 $0.0e+00, v42;
	v46 =	vmul.f32 v17, v23  }
0x1fa: {  	v44 =	vld [tilespmem:s24+$0x0];
	[tilespmem:v3+s17+$0x0] =	vst.idx.msk $0xffff, v43;
	v34 =	vsub.f32 $0.0e+00, v45  }
0x1fb: {  	v47 =	vmul.f32 v63, v21;
	[tilespmem:v12+s17+$0x0] =	vst.idx.msk $0xffff, v27;
	v35 =	vsub.f32 $0.0e+00, v46  }
0x1fc: {  	v19 =	vmul.f32 v23, v19;
	v37 =	vsub.f32 $0.0e+00, v21;
	v48 =	vmul.f32 v24, v21;
	[tilespmem:v9+s17+$0x0] =	vst.idx.msk $0xffff, v34  }
0x1fd: {  	v30 =	vsub.f32 v30, v47;
	v21 =	vmul.f32 v17, v21;
	[tilespmem:v13+s17+$0x0] =	vst.idx.msk $0xffff, v35  }
0x1fe: {  	v27 =	vsub.f32 v28, v48;
	[tilespmem:v8+s17+$0x0] =	vst.idx.msk $0xffff, v37  }
0x1ff: {  	v49 =	vmul.f32 v63, v19;
	v21 =	vsub.f32 v22, v21;
	[tilespmem:v6+s17+$0x0] =	vst.idx.msk $0xffff, v30  }
0x200: {  	v18 =	vmul.f32 v23, v18;
	v51 =	vsub.f32 $0.0e+00, v19;
	v50 =	vmul.f32 v24, v19;
	[tilespmem:v2+s17+$0x0] =	vst.idx.msk $0xffff, v27  }
0x201: {  	v52 =	vsub.f32 v32, v49;
	v19 =	vmul.f32 v17, v19;
	[tilespmem:v1+s17+$0x0] =	vst.idx.msk $0xffff, v21  }
0x202: {  	v20 =	vsub.f32 v20, v50;
	[tilespmem:v11+s17+$0x0] =	vst.idx.msk $0xffff, v51  }
0x203: {  	v54 =	vor.u32 $0xE, v3;
	v53 =	vmul.f32 v63, v18;
	v19 =	vsub.f32 v58, v19;
	[tilespmem:v10+s17+$0x0] =	vst.idx.msk $0xffff, v52  }
0x204: {  	v57 =	vor.u32 $0xF, v3;
	v56 =	vsub.f32 $0.0e+00, v18;
	v55 =	vmul.f32 v24, v18;
	[tilespmem:v7+s17+$0x0] =	vst.idx.msk $0xffff, v20  }
0x205: {  	v17 =	vmul.f32 v17, v18;
	v58 =	vsub.f32 v29, v53;
	[tilespmem:v14+s17+$0x0] =	vst.idx.msk $0xffff, v19  }
0x206: {  	v16 =	vsub.f32 v16, v55;
	[tilespmem:v5+s17+$0x0] =	vst.idx.msk $0xffff, v56  }
0x207: {  	v15 =	vsub.f32 v15, v17;
	[tilespmem:v4+s17+$0x0] =	vst.idx.msk $0xffff, v58  }
0x208: {  	[tilespmem:v54+s17+$0x0] =	vst.idx.msk $0xffff, v16  }
0x209: {  	v59 =	vshll.u32 v36, $0x2;
	[tilespmem:v57+s17+$0x0] =	vst.idx.msk $0xffff, v15  }
0x20a: {  	v60 =	vshll.u32 v44, $0x2;
	[tilespmem:v3+s18+$0x0] =	vst.idx.msk $0xffff, v59  }
0x20b: {  	[tilespmem:v3+s19+$0x0] =	vst.idx.msk $0xffff, v60  }
0x20c: {  	v3 =	vor.u32 $0x1, v60;
	[tilespmem:v12+s18+$0x0] =	vst.idx.msk $0xffff, v59  }
0x20d: {  	[tilespmem:v12+s19+$0x0] =	vst.idx.msk $0xffff, v3  }
0x20e: {  	v61 =	vor.u32 $0x2, v60;
	[tilespmem:v9+s18+$0x0] =	vst.idx.msk $0xffff, v59  }
0x20f: {  	[tilespmem:v9+s19+$0x0] =	vst.idx.msk $0xffff, v61  }
0x210: {  	v62 =	vor.u32 $0x3, v60;
	[tilespmem:v13+s18+$0x0] =	vst.idx.msk $0xffff, v59  }
0x211: {  	v63 =	vor.u32 $0x1, v59;
	[tilespmem:v13+s19+$0x0] =	vst.idx.msk $0xffff, v62  }
0x212: {  	[tilespmem:v8+s18+$0x0] =	vst.idx.msk $0xffff, v63  }
0x213: {  	[tilespmem:v8+s19+$0x0] =	vst.idx.msk $0xffff, v60  }
0x214: {  	[tilespmem:v6+s18+$0x0] =	vst.idx.msk $0xffff, v63  }
0x215: {  	[tilespmem:v6+s19+$0x0] =	vst.idx.msk $0xffff, v3  }
0x216: {  	[tilespmem:v2+s18+$0x0] =	vst.idx.msk $0xffff, v63  }
0x217: {  	[tilespmem:v2+s19+$0x0] =	vst.idx.msk $0xffff, v61  }
0x218: {  	[tilespmem:v1+s18+$0x0] =	vst.idx.msk $0xffff, v63  }
0x219: {  	[tilespmem:v1+s19+$0x0] =	vst.idx.msk $0xffff, v62;
	v1 =	vor.u32 $0x2, v59  }
0x21a: {  	[tilespmem:v11+s18+$0x0] =	vst.idx.msk $0xffff, v1  }
0x21b: {  	[tilespmem:v11+s19+$0x0] =	vst.idx.msk $0xffff, v60  }
0x21c: {  	[tilespmem:v10+s18+$0x0] =	vst.idx.msk $0xffff, v1  }
0x21d: {  	[tilespmem:v10+s19+$0x0] =	vst.idx.msk $0xffff, v3  }
0x21e: {  	[tilespmem:v7+s18+$0x0] =	vst.idx.msk $0xffff, v1  }
0x21f: {  	[tilespmem:v7+s19+$0x0] =	vst.idx.msk $0xffff, v61  }
0x220: {  	[tilespmem:v14+s18+$0x0] =	vst.idx.msk $0xffff, v1  }
0x221: {  	v1 =	vor.u32 $0x3, v59;
	[tilespmem:v14+s19+$0x0] =	vst.idx.msk $0xffff, v62  }
0x222: {  	[tilespmem:v5+s18+$0x0] =	vst.idx.msk $0xffff, v1  }
0x223: {  	[tilespmem:v5+s19+$0x0] =	vst.idx.msk $0xffff, v60  }
0x224: {  	[tilespmem:v4+s18+$0x0] =	vst.idx.msk $0xffff, v1  }
0x225: {  	[tilespmem:v4+s19+$0x0] =	vst.idx.msk $0xffff, v3  }
0x226: {  	[tilespmem:v54+s18+$0x0] =	vst.idx.msk $0xffff, v1  }
0x227: {  	[tilespmem:v54+s19+$0x0] =	vst.idx.msk $0xffff, v61  }
0x228: {  	s22 =	sshll.u32 s22, $0x1;
	[tilespmem:v57+s18+$0x0] =	vst.idx.msk $0xffff, v1  }
0x229: {  	s30 =	sadd.s32 s9, s22;
	[tilespmem:v57+s19+$0x0] =	vst.idx.msk $0xffff, v62  }
0x22a: {  	[hbm4b:s30+s3] =	stream.linear.scatter [tilespmem:s17], [sflag:$0x3], $0x1900, $0x38;
	[tilespmem:$0x8020] =	vst v63  }
0x22b: {  	_ =	swait.ge [sflag:s12], $0x1900  }
0x22c: {  	[sflag:s12] =	ssyncset.done $0x0  }
0x22d: {  	s31 =	sadd.s32 s2, s22;
	[sflag:s12] =	ssyncadd.s32 $0xFFFFE700  }
0x22e: {  	[hbm4b:s31+s3] =	stream.linear.scatter [tilespmem:s18], [sflag:$0x3], $0x1900, $0x38;
	[tilespmem:$0x8020] =	vst v63  }
0x22f: {  	s21 =	sadd.s32 $0x1, s21;
	_ =	swait.ge [sflag:s12], $0x1900  }
0x230: {  	p0 =	sne.s32 s21, $0x19;
	[sflag:s12] =	ssyncset.done $0x0  }
.Ltmp1:
0x231: {  	s22 =	sadd.s32 s8, s22;
	[sflag:s12] =	ssyncadd.s32 $0xFFFFE700;
	(pc) =	sbr.rel @p0 .LBB2_2-.Ltmp1, $4  }
0x232: {  	[hbm4b:s22+s3] =	stream.linear.scatter [tilespmem:s19], [sflag:$0x3], $0x1900, $0x38;
	[tilespmem:$0x8020] =	vst v63  }
0x233: {  	_ =	swait.ge [sflag:s12], $0x1900  }
0x234: {  	[sflag:s12] =	ssyncset.done $0x0  }
0x235: {  	[sflag:s12] =	ssyncadd.s32 $0xFFFFE700  }
0x236: {  	s20 =	sadd.s32 $0x1, s20  }
0x237: {  	p0 =	sne.s32 s20, s11  }
.Ltmp2:
0x238: {  	_ = 	snop;
	(pc) =	sbr.rel @p0 .LBB2_1-.Ltmp2, $1  }
0x239: {  	_ =	sdelay $0x3  }
0x23a: {  	_ =	sfence.sel $0x180000  }
0x23b: {  	[bflag:$0x0] =	sbarrier.arrive $0xFFFF  }
0x23c: {  	p0 =	sne.s32 s4, $0x0;
	_ =	strace $0x90000047  }
0x23d: {  	s0 =	sadd.s32 @!p0 $0x100000, s0;
	[bflag:$0x2] =	sbarrier.arrive $0xFFFF  }
0x23e: {  	[sflag:s0] =	ssyncadd.tile.s32 @!p0 $0x1;
	_ =	shalt  }
.Lfunc_end2:
_tile_overlayer_lowered:
.L_overlay_start_2:
0x23f: {  	(tag) =	ssettag $0x2  }
0x240: {  	s0 =	rddreg [dreg:$0x0];
	s2 =	stileid.u32  }
0x241: {  	s1 =	rddreg [dreg:$0x1];
	p0 =	sne.s32 s2, $0x0  }
0x242: {  	s3 =	rddreg [dreg:$0x2];
	[bflag:$0x3] =	sbarrier.arrive $0xFFFF;
	s2 =	simm.s32 @!p0 $0x1C03  }
0x243: {  	[timem:s3], [sflag:s2] =	dma.local @!p0 [hbm:s0], s1  }
0x244: {  	s0 =	simm.s32 @!p0 $0x3  }
0x245: {  	_ =	swait.ge @!p0 [sflag:s0], s1  }
0x246: {  	s1 =	ssub.s32 @!p0 $0x0, s1;
	[sflag:s0] =	ssyncset.done @!p0 $0x0  }
0x247: {  	[sflag:s0] =	ssyncadd.s32 @!p0 s1  }
0x248: {  	[bflag:$0x3] =	sbarrier.arrive $0xFFFF  }
0x249: {  	_ =	shalt  }

</sc_bundles>
